<compile_context>
chip_gen: v7x
topology: tpu7x:2x2x1
jax: 0.10.2.dev20260603
libtpu: 0.0.44.dev20260713+nightly
codegen_flags: <defaults>
</compile_context>

<pallas_src>
import functools

import jax
import jax.numpy as jnp
from jax import lax
from jax.experimental import pallas as pl
from jax.experimental.pallas import tpu as pltpu
from jax.experimental.pallas import tpu_sc as plsc

SEQ = 81
VOCAB = 10
HID = 512
CH = 64


def _comb_body(tok_ref, pos_ref, out_ref):
    pos = pos_ref[...]
    for v in range(VOCAB):
        out_ref[v] = pos + jnp.broadcast_to(tok_ref[v, :][None, :], (SEQ, HID))


def _build_comb(token_emb, pos_emb):
    comb3 = pl.pallas_call(
        _comb_body,
        out_shape=jax.ShapeDtypeStruct((VOCAB, SEQ, HID), jnp.float32),
    )(token_emb, pos_emb)
    return comb3.reshape(VOCAB * SEQ, HID)


def _sc_gather(x_flat, comb):
    BS = x_flat.shape[0]
    info = plsc.get_sparse_core_info()
    NC, NS = info.num_cores, info.num_subcores
    NW = NC * NS
    rpw = BS // NW
    nch = rpw // CH
    npair = nch // 2
    mesh = plsc.VectorSubcoreMesh(core_axis_name="c", subcore_axis_name="s")

    @functools.partial(
        pl.kernel,
        mesh=mesh,
        out_type=jax.ShapeDtypeStruct((BS, HID), jnp.float32),
        scratch_types=[
            pltpu.VMEM((rpw,), jnp.int32),
            pltpu.VMEM((CH,), jnp.int32),
            pltpu.VMEM((CH,), jnp.int32),
            pltpu.VMEM((CH, HID), jnp.float32),
            pltpu.VMEM((CH, HID), jnp.float32),
            pltpu.SemaphoreType.DMA,
            pltpu.SemaphoreType.DMA,
            pltpu.SemaphoreType.DMA,
        ],
    )
    def k(x_hbm, comb_hbm, out_hbm, xv, idx_a, idx_b, rows_a, rows_b,
          sem_x, sem_a, sem_b):
        wid = lax.axis_index("s") * NC + lax.axis_index("c")
        base0 = wid * rpw
        pltpu.make_async_copy(x_hbm.at[pl.ds(base0, rpw)], xv, sem_x).start()
        pltpu.make_async_copy(x_hbm.at[pl.ds(base0, rpw)], xv, sem_x).wait()

        def make_idx(g, idx_ref):
            cb = g * CH
            for j in range(CH // 16):
                xvec = xv[pl.ds(cb + j * 16, 16)]
                p = (base0 + cb + j * 16
                     + lax.broadcasted_iota(jnp.int32, (16,), 0))
                sv = lax.rem(p, SEQ)
                idx_ref[pl.ds(j * 16, 16)] = xvec * SEQ + sv

        def start_a():
            pltpu.make_async_copy(comb_hbm.at[idx_a], rows_a, sem_a).start()

        def start_b():
            pltpu.make_async_copy(comb_hbm.at[idx_b], rows_b, sem_b).start()

        make_idx(0, idx_a)
        start_a()

        def pair(h, _):
            g0 = 2 * h
            g1 = g0 + 1
            pltpu.make_async_copy(comb_hbm.at[idx_a], rows_a, sem_a).wait()
            make_idx(g1, idx_b)
            start_b()
            pltpu.sync_copy(rows_a, out_hbm.at[pl.ds(base0 + g0 * CH, CH)])
            pltpu.make_async_copy(comb_hbm.at[idx_b], rows_b, sem_b).wait()

            @pl.when(h + 1 < npair)
            def _next():
                make_idx(g1 + 1, idx_a)
                start_a()

            pltpu.sync_copy(rows_b, out_hbm.at[pl.ds(base0 + g1 * CH, CH)])
            return 0

        lax.fori_loop(0, npair, pair, 0)

    return k(x_flat, comb)


def kernel(x, token_emb, pos_emb):
    B = x.shape[0]
    comb = _build_comb(token_emb, pos_emb)
    x_flat = x.reshape(B * SEQ)
    out = _sc_gather(x_flat, comb)
    return out.reshape(B, SEQ, HID)

# --- scband reference (transcript-rebuilt; emitter-appended) ---
"""Pipeline reference for scband-sudoku-encoder-4037269258922 (READ-ONLY COPY).

The authoritative reference and input builder live on the scoring server;
editing this copy changes nothing except your own understanding.
"""

import jax, jax.numpy as jnp
import numpy as np

SEQ_LEN = 81
VOCAB_SIZE = 10
HIDDEN_DIM = 512
BATCH = 16384


def setup_inputs(seed: int = 0) -> dict:
    key = jax.random.key(seed)
    k1, k2, k3 = jax.random.split(key, 3)
    x = jax.random.randint(k1, (BATCH, SEQ_LEN), 0, VOCAB_SIZE, dtype=jnp.int64 if jax.config.jax_enable_x64 else jnp.int32)
    token_emb = jax.random.normal(k2, (VOCAB_SIZE, HIDDEN_DIM), dtype=jnp.float32) * 0.02
    pos_emb = jax.random.normal(k3, (SEQ_LEN, HIDDEN_DIM), dtype=jnp.float32) * 0.02
    return {"x": x, "token_emb": token_emb, "pos_emb": pos_emb}


def reference(x, token_emb, pos_emb):
    # token embedding gather: [B, S] -> [B, S, H]
    tok = jnp.take(token_emb, x, axis=0)
    # positional embedding: arange over last dim of x
    pos = jnp.arange(x.shape[-1])
    pe = jnp.take(pos_emb, pos, axis=0)  # [S, H]
    return tok + pe[None, :, :]

if __name__ == "__main__":
    import jax
    _d = setup_inputs()
    print(jax.jit(kernel)(*tuple(_d.values())))

</pallas_src>

<mosaic_0001>
#map = affine_map<(d0, d1) -> (0)>
#map1 = affine_map<(d0, d1) -> (0, 0)>
module attributes {stable_mosaic.version = 14 : i64} {
  func.func @k(%arg0: i32, %arg1: i32, %arg2: memref<1327104xi32, #tpu.memory_space<hbm>>, %arg3: memref<810x512xf32, #tpu.memory_space<hbm>>, %arg4: memref<1327104x512xf32, #tpu.memory_space<hbm>>, %arg5: memref<41472xi32, #tpu.memory_space<vmem>>, %arg6: memref<64xi32, #tpu.memory_space<vmem>>, %arg7: memref<64xi32, #tpu.memory_space<vmem>>, %arg8: memref<64x512xf32, #tpu.memory_space<vmem>>, %arg9: memref<64x512xf32, #tpu.memory_space<vmem>>, %arg10: memref<!tpu.dma_semaphore, #tpu.memory_space<semaphore_mem>>, %arg11: memref<!tpu.dma_semaphore, #tpu.memory_space<semaphore_mem>>, %arg12: memref<!tpu.dma_semaphore, #tpu.memory_space<semaphore_mem>>) attributes {dimension_semantics = [#tpu.dimension_semantics<core_parallel>, #tpu.dimension_semantics<subcore_parallel>], iteration_bounds = array<i64: 2, 16>, scalar_prefetch = 0 : i64, scratch_operands = 8 : i64, tpu.core_type = #tpu.core_type<sc_vector_subcore>, window_params = [{transform_indices = #map}, {transform_indices = #map1}, {transform_indices = #map1}]} {
    %mul3A = arith.constant 2 : i32
    %mul3A_0 = arith.muli %arg1, %mul3A : i32
    %add3A = arith.addi %mul3A_0, %arg0 : i32
    %mul3A_1 = arith.constant 41472 : i32
    %mul3A_2 = arith.muli %add3A, %mul3A_1 : i32
    %dma_start3A = tpu.memref_slice %arg2[%mul3A_2] : memref<1327104xi32, #tpu.memory_space<hbm>> -> memref<41472xi32, #tpu.memory_space<hbm>>
    %dma_start3A_3 = tpu.memref_slice %arg2[%mul3A_2] : memref<1327104xi32, #tpu.memory_space<hbm>> -> memref<41472xi32, #tpu.memory_space<hbm>>
    tpu.enqueue_dma source(%dma_start3A_3 : memref<41472xi32, #tpu.memory_space<hbm>>) target(%arg5 : memref<41472xi32, #tpu.memory_space<vmem>>) target_semaphore(%arg10 : memref<!tpu.dma_semaphore, #tpu.memory_space<semaphore_mem>>)
    %dma_wait3A = tpu.memref_slice %arg2[%mul3A_2] : memref<1327104xi32, #tpu.memory_space<hbm>> -> memref<41472xi32, #tpu.memory_space<hbm>>
    %dma_wait3A_4 = tpu.memref_slice %arg2[%mul3A_2] : memref<1327104xi32, #tpu.memory_space<hbm>> -> memref<41472xi32, #tpu.memory_space<hbm>>
    tpu.wait_dma2 semaphore(%arg10 : memref<!tpu.dma_semaphore, #tpu.memory_space<semaphore_mem>>) src(%dma_wait3A_4 : memref<41472xi32, #tpu.memory_space<hbm>>) dst(%arg5 : memref<41472xi32, #tpu.memory_space<vmem>>)
    %get3A = arith.constant 0 : index
    %get3A_5 = tpu.vector_load %arg5[%get3A] {strides = array<i32>} : memref<41472xi32, #tpu.memory_space<vmem>>, vector<16xi32>,
    %get3A_6 = vector.shape_cast %get3A_5 : vector<16xi32> to vector<16xi32>
    %add3A_7 = arith.constant 0 : i32
    %add3A_8 = arith.addi %mul3A_2, %add3A_7 : i32
    %add3A_9 = arith.constant 0 : i32
    %add3A_10 = arith.addi %add3A_8, %add3A_9 : i32
    %iota3A = tpu.iota {dimensions = array<i32: 0>} : vector<16xi32>
    %add3A_11 = vector.broadcast %add3A_10 : i32 to vector<16xi32>
    %add3A_12 = arith.addi %add3A_11, %iota3A : vector<16xi32>
    %rem3A = arith.constant 81 : i32
    %rem3A_13 = vector.broadcast %rem3A : i32 to vector<16xi32>
    %rem3A_14 = arith.remsi %add3A_12, %rem3A_13 : vector<16xi32>
    %mul3A_15 = arith.constant 81 : i32
    %mul3A_16 = vector.broadcast %mul3A_15 : i32 to vector<16xi32>
    %mul3A_17 = arith.muli %get3A_6, %mul3A_16 : vector<16xi32>
    %add3A_18 = arith.addi %mul3A_17, %rem3A_14 : vector<16xi32>
    %swap3A = arith.constant 0 : index
    %swap3A_19 = tpu.vector_load %arg6[%swap3A] {strides = array<i32>} : memref<64xi32, #tpu.memory_space<vmem>>, vector<16xi32>,
    %swap3A_20 = vector.shape_cast %swap3A_19 : vector<16xi32> to vector<16xi32>
    %swap3A_21 = vector.shape_cast %add3A_18 : vector<16xi32> to vector<16xi32>
    tpu.vector_store %arg6[%swap3A], %swap3A_21 {strides = array<i32>} : memref<64xi32, #tpu.memory_space<vmem>>, vector<16xi32>,
    %get3A_22 = arith.constant 16 : index
    %get3A_23 = tpu.vector_load %arg5[%get3A_22] {strides = array<i32>} : memref<41472xi32, #tpu.memory_space<vmem>>, vector<16xi32>,
    %get3A_24 = vector.shape_cast %get3A_23 : vector<16xi32> to vector<16xi32>
    %add3A_25 = arith.constant 0 : i32
    %add3A_26 = arith.addi %mul3A_2, %add3A_25 : i32
    %add3A_27 = arith.constant 16 : i32
    %add3A_28 = arith.addi %add3A_26, %add3A_27 : i32
    %iota3A_29 = tpu.iota {dimensions = array<i32: 0>} : vector<16xi32>
    %add3A_30 = vector.broadcast %add3A_28 : i32 to vector<16xi32>
    %add3A_31 = arith.addi %add3A_30, %iota3A_29 : vector<16xi32>
    %rem3A_32 = arith.constant 81 : i32
    %rem3A_33 = vector.broadcast %rem3A_32 : i32 to vector<16xi32>
    %rem3A_34 = arith.remsi %add3A_31, %rem3A_33 : vector<16xi32>
    %mul3A_35 = arith.constant 81 : i32
    %mul3A_36 = vector.broadcast %mul3A_35 : i32 to vector<16xi32>
    %mul3A_37 = arith.muli %get3A_24, %mul3A_36 : vector<16xi32>
    %add3A_38 = arith.addi %mul3A_37, %rem3A_34 : vector<16xi32>
    %swap3A_39 = arith.constant 16 : index
    %swap3A_40 = tpu.vector_load %arg6[%swap3A_39] {strides = array<i32>} : memref<64xi32, #tpu.memory_space<vmem>>, vector<16xi32>,
    %swap3A_41 = vector.shape_cast %swap3A_40 : vector<16xi32> to vector<16xi32>
    %swap3A_42 = vector.shape_cast %add3A_38 : vector<16xi32> to vector<16xi32>
    tpu.vector_store %arg6[%swap3A_39], %swap3A_42 {strides = array<i32>} : memref<64xi32, #tpu.memory_space<vmem>>, vector<16xi32>,
    %get3A_43 = arith.constant 32 : index
    %get3A_44 = tpu.vector_load %arg5[%get3A_43] {strides = array<i32>} : memref<41472xi32, #tpu.memory_space<vmem>>, vector<16xi32>,
    %get3A_45 = vector.shape_cast %get3A_44 : vector<16xi32> to vector<16xi32>
    %add3A_46 = arith.constant 0 : i32
    %add3A_47 = arith.addi %mul3A_2, %add3A_46 : i32
    %add3A_48 = arith.constant 32 : i32
    %add3A_49 = arith.addi %add3A_47, %add3A_48 : i32
    %iota3A_50 = tpu.iota {dimensions = array<i32: 0>} : vector<16xi32>
    %add3A_51 = vector.broadcast %add3A_49 : i32 to vector<16xi32>
    %add3A_52 = arith.addi %add3A_51, %iota3A_50 : vector<16xi32>
    %rem3A_53 = arith.constant 81 : i32
    %rem3A_54 = vector.broadcast %rem3A_53 : i32 to vector<16xi32>
    %rem3A_55 = arith.remsi %add3A_52, %rem3A_54 : vector<16xi32>
    %mul3A_56 = arith.constant 81 : i32
    %mul3A_57 = vector.broadcast %mul3A_56 : i32 to vector<16xi32>
    %mul3A_58 = arith.muli %get3A_45, %mul3A_57 : vector<16xi32>
    %add3A_59 = arith.addi %mul3A_58, %rem3A_55 : vector<16xi32>
    %swap3A_60 = arith.constant 32 : index
    %swap3A_61 = tpu.vector_load %arg6[%swap3A_60] {strides = array<i32>} : memref<64xi32, #tpu.memory_space<vmem>>, vector<16xi32>,
    %swap3A_62 = vector.shape_cast %swap3A_61 : vector<16xi32> to vector<16xi32>
    %swap3A_63 = vector.shape_cast %add3A_59 : vector<16xi32> to vector<16xi32>
    tpu.vector_store %arg6[%swap3A_60], %swap3A_63 {strides = array<i32>} : memref<64xi32, #tpu.memory_space<vmem>>, vector<16xi32>,
    %get3A_64 = arith.constant 48 : index
    %get3A_65 = tpu.vector_load %arg5[%get3A_64] {strides = array<i32>} : memref<41472xi32, #tpu.memory_space<vmem>>, vector<16xi32>,
    %get3A_66 = vector.shape_cast %get3A_65 : vector<16xi32> to vector<16xi32>
    %add3A_67 = arith.constant 0 : i32
    %add3A_68 = arith.addi %mul3A_2, %add3A_67 : i32
    %add3A_69 = arith.constant 48 : i32
    %add3A_70 = arith.addi %add3A_68, %add3A_69 : i32
    %iota3A_71 = tpu.iota {dimensions = array<i32: 0>} : vector<16xi32>
    %add3A_72 = vector.broadcast %add3A_70 : i32 to vector<16xi32>
    %add3A_73 = arith.addi %add3A_72, %iota3A_71 : vector<16xi32>
    %rem3A_74 = arith.constant 81 : i32
    %rem3A_75 = vector.broadcast %rem3A_74 : i32 to vector<16xi32>
    %rem3A_76 = arith.remsi %add3A_73, %rem3A_75 : vector<16xi32>
    %mul3A_77 = arith.constant 81 : i32
    %mul3A_78 = vector.broadcast %mul3A_77 : i32 to vector<16xi32>
    %mul3A_79 = arith.muli %get3A_66, %mul3A_78 : vector<16xi32>
    %add3A_80 = arith.addi %mul3A_79, %rem3A_76 : vector<16xi32>
    %swap3A_81 = arith.constant 48 : index
    %swap3A_82 = tpu.vector_load %arg6[%swap3A_81] {strides = array<i32>} : memref<64xi32, #tpu.memory_space<vmem>>, vector<16xi32>,
    %swap3A_83 = vector.shape_cast %swap3A_82 : vector<16xi32> to vector<16xi32>
    %swap3A_84 = vector.shape_cast %add3A_80 : vector<16xi32> to vector<16xi32>
    tpu.vector_store %arg6[%swap3A_81], %swap3A_84 {strides = array<i32>} : memref<64xi32, #tpu.memory_space<vmem>>, vector<16xi32>,
    %dma_start3A_85 = arith.constant 0 : i32
    %dma_start3A_86 = arith.constant 0 : i32
    %dma_start3A_87 = tpu.memref_slice %arg3[%dma_start3A_85, %dma_start3A_86] : memref<810x512xf32, #tpu.memory_space<hbm>> -> memref<810x512xf32, #tpu.memory_space<hbm>>
    tpu.enqueue_indirect_dma source(%dma_start3A_87 : memref<810x512xf32, #tpu.memory_space<hbm>>) target(%arg8 : memref<64x512xf32, #tpu.memory_space<vmem>>) offsets(%arg6 : memref<64xi32, #tpu.memory_space<vmem>>) semaphore(%arg11 : memref<!tpu.dma_semaphore, #tpu.memory_space<semaphore_mem>>)
    %scan3A = arith.constant 0 : i32
    %scan3A_88 = arith.constant 0 : i32
    %scan3A_89 = arith.constant 324 : i32
    %scan3A_90 = arith.addi %scan3A_88, %scan3A_89 : i32
    %scan3A_91 = arith.constant 1 : i32
    %scan3A_92 = scf.for %scan3A_94 = %scan3A_88 to %scan3A_90 step %scan3A_91 iter_args(%scan3A_95 = %scan3A) -> (i32)  : i32 {
      %mul3A_96 = arith.constant 2 : i32
      %mul3A_97 = arith.muli %mul3A_96, %scan3A_94 : i32
      %add3A_98 = arith.constant 1 : i32
      %add3A_99 = arith.addi %mul3A_97, %add3A_98 : i32
      %dma_wait3A_100 = arith.constant 0 : i32
      %dma_wait3A_101 = arith.constant 0 : i32
      %dma_wait3A_102 = tpu.memref_slice %arg3[%dma_wait3A_100, %dma_wait3A_101] : memref<810x512xf32, #tpu.memory_space<hbm>> -> memref<810x512xf32, #tpu.memory_space<hbm>>
      tpu.wait_indirect_dma semaphore(%arg11 : memref<!tpu.dma_semaphore, #tpu.memory_space<semaphore_mem>>) src(%dma_wait3A_102 : memref<810x512xf32, #tpu.memory_space<hbm>>) dst(%arg8 : memref<64x512xf32, #tpu.memory_space<vmem>>)
      %mul3A_103 = arith.constant 64 : i32
      %mul3A_104 = arith.muli %add3A_99, %mul3A_103 : i32
      %add3A_105 = arith.constant 0 : i32
      %add3A_106 = arith.addi %mul3A_104, %add3A_105 : i32
      %get3A_107 = arith.index_cast %add3A_106 : i32 to index
      %get3A_108 = tpu.vector_load %arg5[%get3A_107] {strides = array<i32>} : memref<41472xi32, #tpu.memory_space<vmem>>, vector<16xi32>,
      %get3A_109 = vector.shape_cast %get3A_108 : vector<16xi32> to vector<16xi32>
      %add3A_110 = arith.addi %mul3A_2, %mul3A_104 : i32
      %add3A_111 = arith.constant 0 : i32
      %add3A_112 = arith.addi %add3A_110, %add3A_111 : i32
      %iota3A_113 = tpu.iota {dimensions = array<i32: 0>} : vector<16xi32>
      %add3A_114 = vector.broadcast %add3A_112 : i32 to vector<16xi32>
      %add3A_115 = arith.addi %add3A_114, %iota3A_113 : vector<16xi32>
      %rem3A_116 = arith.constant 81 : i32
      %rem3A_117 = vector.broadcast %rem3A_116 : i32 to vector<16xi32>
      %rem3A_118 = arith.remsi %add3A_115, %rem3A_117 : vector<16xi32>
      %mul3A_119 = arith.constant 81 : i32
      %mul3A_120 = vector.broadcast %mul3A_119 : i32 to vector<16xi32>
      %mul3A_121 = arith.muli %get3A_109, %mul3A_120 : vector<16xi32>
      %add3A_122 = arith.addi %mul3A_121, %rem3A_118 : vector<16xi32>
      %swap3A_123 = arith.constant 0 : index
      %swap3A_124 = tpu.vector_load %arg7[%swap3A_123] {strides = array<i32>} : memref<64xi32, #tpu.memory_space<vmem>>, vector<16xi32>,
      %swap3A_125 = vector.shape_cast %swap3A_124 : vector<16xi32> to vector<16xi32>
      %swap3A_126 = vector.shape_cast %add3A_122 : vector<16xi32> to vector<16xi32>
      tpu.vector_store %arg7[%swap3A_123], %swap3A_126 {strides = array<i32>} : memref<64xi32, #tpu.memory_space<vmem>>, vector<16xi32>,
      %add3A_127 = arith.constant 16 : i32
      %add3A_128 = arith.addi %mul3A_104, %add3A_127 : i32
      %get3A_129 = arith.index_cast %add3A_128 : i32 to index
      %get3A_130 = tpu.vector_load %arg5[%get3A_129] {strides = array<i32>} : memref<41472xi32, #tpu.memory_space<vmem>>, vector<16xi32>,
      %get3A_131 = vector.shape_cast %get3A_130 : vector<16xi32> to vector<16xi32>
      %add3A_132 = arith.addi %mul3A_2, %mul3A_104 : i32
      %add3A_133 = arith.constant 16 : i32
      %add3A_134 = arith.addi %add3A_132, %add3A_133 : i32
      %iota3A_135 = tpu.iota {dimensions = array<i32: 0>} : vector<16xi32>
      %add3A_136 = vector.broadcast %add3A_134 : i32 to vector<16xi32>
      %add3A_137 = arith.addi %add3A_136, %iota3A_135 : vector<16xi32>
      %rem3A_138 = arith.constant 81 : i32
      %rem3A_139 = vector.broadcast %rem3A_138 : i32 to vector<16xi32>
      %rem3A_140 = arith.remsi %add3A_137, %rem3A_139 : vector<16xi32>
      %mul3A_141 = arith.constant 81 : i32
      %mul3A_142 = vector.broadcast %mul3A_141 : i32 to vector<16xi32>
      %mul3A_143 = arith.muli %get3A_131, %mul3A_142 : vector<16xi32>
      %add3A_144 = arith.addi %mul3A_143, %rem3A_140 : vector<16xi32>
      %swap3A_145 = arith.constant 16 : index
      %swap3A_146 = tpu.vector_load %arg7[%swap3A_145] {strides = array<i32>} : memref<64xi32, #tpu.memory_space<vmem>>, vector<16xi32>,
      %swap3A_147 = vector.shape_cast %swap3A_146 : vector<16xi32> to vector<16xi32>
      %swap3A_148 = vector.shape_cast %add3A_144 : vector<16xi32> to vector<16xi32>
      tpu.vector_store %arg7[%swap3A_145], %swap3A_148 {strides = array<i32>} : memref<64xi32, #tpu.memory_space<vmem>>, vector<16xi32>,
      %add3A_149 = arith.constant 32 : i32
      %add3A_150 = arith.addi %mul3A_104, %add3A_149 : i32
      %get3A_151 = arith.index_cast %add3A_150 : i32 to index
      %get3A_152 = tpu.vector_load %arg5[%get3A_151] {strides = array<i32>} : memref<41472xi32, #tpu.memory_space<vmem>>, vector<16xi32>,
      %get3A_153 = vector.shape_cast %get3A_152 : vector<16xi32> to vector<16xi32>
      %add3A_154 = arith.addi %mul3A_2, %mul3A_104 : i32
      %add3A_155 = arith.constant 32 : i32
      %add3A_156 = arith.addi %add3A_154, %add3A_155 : i32
      %iota3A_157 = tpu.iota {dimensions = array<i32: 0>} : vector<16xi32>
      %add3A_158 = vector.broadcast %add3A_156 : i32 to vector<16xi32>
      %add3A_159 = arith.addi %add3A_158, %iota3A_157 : vector<16xi32>
      %rem3A_160 = arith.constant 81 : i32
      %rem3A_161 = vector.broadcast %rem3A_160 : i32 to vector<16xi32>
      %rem3A_162 = arith.remsi %add3A_159, %rem3A_161 : vector<16xi32>
      %mul3A_163 = arith.constant 81 : i32
      %mul3A_164 = vector.broadcast %mul3A_163 : i32 to vector<16xi32>
      %mul3A_165 = arith.muli %get3A_153, %mul3A_164 : vector<16xi32>
      %add3A_166 = arith.addi %mul3A_165, %rem3A_162 : vector<16xi32>
      %swap3A_167 = arith.constant 32 : index
      %swap3A_168 = tpu.vector_load %arg7[%swap3A_167] {strides = array<i32>} : memref<64xi32, #tpu.memory_space<vmem>>, vector<16xi32>,
      %swap3A_169 = vector.shape_cast %swap3A_168 : vector<16xi32> to vector<16xi32>
      %swap3A_170 = vector.shape_cast %add3A_166 : vector<16xi32> to vector<16xi32>
      tpu.vector_store %arg7[%swap3A_167], %swap3A_170 {strides = array<i32>} : memref<64xi32, #tpu.memory_space<vmem>>, vector<16xi32>,
      %add3A_171 = arith.constant 48 : i32
      %add3A_172 = arith.addi %mul3A_104, %add3A_171 : i32
      %get3A_173 = arith.index_cast %add3A_172 : i32 to index
      %get3A_174 = tpu.vector_load %arg5[%get3A_173] {strides = array<i32>} : memref<41472xi32, #tpu.memory_space<vmem>>, vector<16xi32>,
      %get3A_175 = vector.shape_cast %get3A_174 : vector<16xi32> to vector<16xi32>
      %add3A_176 = arith.addi %mul3A_2, %mul3A_104 : i32
      %add3A_177 = arith.constant 48 : i32
      %add3A_178 = arith.addi %add3A_176, %add3A_177 : i32
      %iota3A_179 = tpu.iota {dimensions = array<i32: 0>} : vector<16xi32>
      %add3A_180 = vector.broadcast %add3A_178 : i32 to vector<16xi32>
      %add3A_181 = arith.addi %add3A_180, %iota3A_179 : vector<16xi32>
      %rem3A_182 = arith.constant 81 : i32
      %rem3A_183 = vector.broadcast %rem3A_182 : i32 to vector<16xi32>
      %rem3A_184 = arith.remsi %add3A_181, %rem3A_183 : vector<16xi32>
      %mul3A_185 = arith.constant 81 : i32
      %mul3A_186 = vector.broadcast %mul3A_185 : i32 to vector<16xi32>
      %mul3A_187 = arith.muli %get3A_175, %mul3A_186 : vector<16xi32>
      %add3A_188 = arith.addi %mul3A_187, %rem3A_184 : vector<16xi32>
      %swap3A_189 = arith.constant 48 : index
      %swap3A_190 = tpu.vector_load %arg7[%swap3A_189] {strides = array<i32>} : memref<64xi32, #tpu.memory_space<vmem>>, vector<16xi32>,
      %swap3A_191 = vector.shape_cast %swap3A_190 : vector<16xi32> to vector<16xi32>
      %swap3A_192 = vector.shape_cast %add3A_188 : vector<16xi32> to vector<16xi32>
      tpu.vector_store %arg7[%swap3A_189], %swap3A_192 {strides = array<i32>} : memref<64xi32, #tpu.memory_space<vmem>>, vector<16xi32>,
      %dma_start3A_193 = arith.constant 0 : i32
      %dma_start3A_194 = arith.constant 0 : i32
      %dma_start3A_195 = tpu.memref_slice %arg3[%dma_start3A_193, %dma_start3A_194] : memref<810x512xf32, #tpu.memory_space<hbm>> -> memref<810x512xf32, #tpu.memory_space<hbm>>
      tpu.enqueue_indirect_dma source(%dma_start3A_195 : memref<810x512xf32, #tpu.memory_space<hbm>>) target(%arg9 : memref<64x512xf32, #tpu.memory_space<vmem>>) offsets(%arg7 : memref<64xi32, #tpu.memory_space<vmem>>) semaphore(%arg12 : memref<!tpu.dma_semaphore, #tpu.memory_space<semaphore_mem>>)
      %mul3A_196 = arith.constant 64 : i32
      %mul3A_197 = arith.muli %mul3A_97, %mul3A_196 : i32
      %add3A_198 = arith.addi %mul3A_2, %mul3A_197 : i32
      "tpu.region"() ({
        %run_scoped3A = tpu.sem_alloc : memref<!tpu.dma_semaphore, #tpu.memory_space<semaphore_mem>>
        %dma_start3A_210 = arith.constant 0 : i32
        %dma_start3A_211 = tpu.memref_slice %arg4[%add3A_198, %dma_start3A_210] : memref<1327104x512xf32, #tpu.memory_space<hbm>> -> memref<64x512xf32, #tpu.memory_space<hbm>>
        %dma_start3A_212 = arith.constant 0 : i32
        %dma_start3A_213 = tpu.memref_slice %arg4[%add3A_198, %dma_start3A_212] : memref<1327104x512xf32, #tpu.memory_space<hbm>> -> memref<64x512xf32, #tpu.memory_space<hbm>>
        tpu.enqueue_dma source(%arg8 : memref<64x512xf32, #tpu.memory_space<vmem>>) target(%dma_start3A_213 : memref<64x512xf32, #tpu.memory_space<hbm>>) target_semaphore(%run_scoped3A : memref<!tpu.dma_semaphore, #tpu.memory_space<semaphore_mem>>)
        %dma_wait3A_214 = arith.constant 0 : i32
        %dma_wait3A_215 = tpu.memref_slice %arg4[%add3A_198, %dma_wait3A_214] : memref<1327104x512xf32, #tpu.memory_space<hbm>> -> memref<64x512xf32, #tpu.memory_space<hbm>>
        %dma_wait3A_216 = arith.constant 0 : i32
        %dma_wait3A_217 = tpu.memref_slice %arg4[%add3A_198, %dma_wait3A_216] : memref<1327104x512xf32, #tpu.memory_space<hbm>> -> memref<64x512xf32, #tpu.memory_space<hbm>>
        tpu.wait_dma2 semaphore(%run_scoped3A : memref<!tpu.dma_semaphore, #tpu.memory_space<semaphore_mem>>) src(%arg8 : memref<64x512xf32, #tpu.memory_space<vmem>>) dst(%dma_wait3A_217 : memref<64x512xf32, #tpu.memory_space<hbm>>)
        tpu.yield
      }) : () -> ()
      %dma_wait3A_199 = arith.constant 0 : i32
      %dma_wait3A_200 = arith.constant 0 : i32
      %dma_wait3A_201 = tpu.memref_slice %arg3[%dma_wait3A_199, %dma_wait3A_200] : memref<810x512xf32, #tpu.memory_space<hbm>> -> memref<810x512xf32, #tpu.memory_space<hbm>>
      tpu.wait_indirect_dma semaphore(%arg12 : memref<!tpu.dma_semaphore, #tpu.memory_space<semaphore_mem>>) src(%dma_wait3A_201 : memref<810x512xf32, #tpu.memory_space<hbm>>) dst(%arg9 : memref<64x512xf32, #tpu.memory_space<vmem>>)
      %add3A_202 = arith.constant 1 : i32
      %add3A_203 = arith.addi %scan3A_94, %add3A_202 : i32
      %lt3A = arith.constant 324 : i32
      %lt3A_204 = arith.cmpi slt, %add3A_203, %lt3A : i32
      %convert_element_type3A = arith.extui %lt3A_204 : i1 to i32
      %cond3A = arith.constant 0 : i32
      %cond3A_205 = arith.cmpi ne, %convert_element_type3A, %cond3A : i32
      scf.if %cond3A_205 {
        %add3A_210 = arith.constant 1 : i32
        %add3A_211 = arith.addi %add3A_99, %add3A_210 : i32
        %mul3A_212 = arith.constant 64 : i32
        %mul3A_213 = arith.muli %add3A_211, %mul3A_212 : i32
        %add3A_214 = arith.constant 0 : i32
        %add3A_215 = arith.addi %mul3A_213, %add3A_214 : i32
        %get3A_216 = arith.index_cast %add3A_215 : i32 to index
        %get3A_217 = tpu.vector_load %arg5[%get3A_216] {strides = array<i32>} : memref<41472xi32, #tpu.memory_space<vmem>>, vector<16xi32>,
        %get3A_218 = vector.shape_cast %get3A_217 : vector<16xi32> to vector<16xi32>
        %add3A_219 = arith.addi %mul3A_2, %mul3A_213 : i32
        %add3A_220 = arith.constant 0 : i32
        %add3A_221 = arith.addi %add3A_219, %add3A_220 : i32
        %iota3A_222 = tpu.iota {dimensions = array<i32: 0>} : vector<16xi32>
        %add3A_223 = vector.broadcast %add3A_221 : i32 to vector<16xi32>
        %add3A_224 = arith.addi %add3A_223, %iota3A_222 : vector<16xi32>
        %rem3A_225 = arith.constant 81 : i32
        %rem3A_226 = vector.broadcast %rem3A_225 : i32 to vector<16xi32>
        %rem3A_227 = arith.remsi %add3A_224, %rem3A_226 : vector<16xi32>
        %mul3A_228 = arith.constant 81 : i32
        %mul3A_229 = vector.broadcast %mul3A_228 : i32 to vector<16xi32>
        %mul3A_230 = arith.muli %get3A_218, %mul3A_229 : vector<16xi32>
        %add3A_231 = arith.addi %mul3A_230, %rem3A_227 : vector<16xi32>
        %swap3A_232 = arith.constant 0 : index
        %swap3A_233 = tpu.vector_load %arg6[%swap3A_232] {strides = array<i32>} : memref<64xi32, #tpu.memory_space<vmem>>, vector<16xi32>,
        %swap3A_234 = vector.shape_cast %swap3A_233 : vector<16xi32> to vector<16xi32>
        %swap3A_235 = vector.shape_cast %add3A_231 : vector<16xi32> to vector<16xi32>
        tpu.vector_store %arg6[%swap3A_232], %swap3A_235 {strides = array<i32>} : memref<64xi32, #tpu.memory_space<vmem>>, vector<16xi32>,
        %add3A_236 = arith.constant 16 : i32
        %add3A_237 = arith.addi %mul3A_213, %add3A_236 : i32
        %get3A_238 = arith.index_cast %add3A_237 : i32 to index
        %get3A_239 = tpu.vector_load %arg5[%get3A_238] {strides = array<i32>} : memref<41472xi32, #tpu.memory_space<vmem>>, vector<16xi32>,
        %get3A_240 = vector.shape_cast %get3A_239 : vector<16xi32> to vector<16xi32>
        %add3A_241 = arith.addi %mul3A_2, %mul3A_213 : i32
        %add3A_242 = arith.constant 16 : i32
        %add3A_243 = arith.addi %add3A_241, %add3A_242 : i32
        %iota3A_244 = tpu.iota {dimensions = array<i32: 0>} : vector<16xi32>
        %add3A_245 = vector.broadcast %add3A_243 : i32 to vector<16xi32>
        %add3A_246 = arith.addi %add3A_245, %iota3A_244 : vector<16xi32>
        %rem3A_247 = arith.constant 81 : i32
        %rem3A_248 = vector.broadcast %rem3A_247 : i32 to vector<16xi32>
        %rem3A_249 = arith.remsi %add3A_246, %rem3A_248 : vector<16xi32>
        %mul3A_250 = arith.constant 81 : i32
        %mul3A_251 = vector.broadcast %mul3A_250 : i32 to vector<16xi32>
        %mul3A_252 = arith.muli %get3A_240, %mul3A_251 : vector<16xi32>
        %add3A_253 = arith.addi %mul3A_252, %rem3A_249 : vector<16xi32>
        %swap3A_254 = arith.constant 16 : index
        %swap3A_255 = tpu.vector_load %arg6[%swap3A_254] {strides = array<i32>} : memref<64xi32, #tpu.memory_space<vmem>>, vector<16xi32>,
        %swap3A_256 = vector.shape_cast %swap3A_255 : vector<16xi32> to vector<16xi32>
        %swap3A_257 = vector.shape_cast %add3A_253 : vector<16xi32> to vector<16xi32>
        tpu.vector_store %arg6[%swap3A_254], %swap3A_257 {strides = array<i32>} : memref<64xi32, #tpu.memory_space<vmem>>, vector<16xi32>,
        %add3A_258 = arith.constant 32 : i32
        %add3A_259 = arith.addi %mul3A_213, %add3A_258 : i32
        %get3A_260 = arith.index_cast %add3A_259 : i32 to index
        %get3A_261 = tpu.vector_load %arg5[%get3A_260] {strides = array<i32>} : memref<41472xi32, #tpu.memory_space<vmem>>, vector<16xi32>,
        %get3A_262 = vector.shape_cast %get3A_261 : vector<16xi32> to vector<16xi32>
        %add3A_263 = arith.addi %mul3A_2, %mul3A_213 : i32
        %add3A_264 = arith.constant 32 : i32
        %add3A_265 = arith.addi %add3A_263, %add3A_264 : i32
        %iota3A_266 = tpu.iota {dimensions = array<i32: 0>} : vector<16xi32>
        %add3A_267 = vector.broadcast %add3A_265 : i32 to vector<16xi32>
        %add3A_268 = arith.addi %add3A_267, %iota3A_266 : vector<16xi32>
        %rem3A_269 = arith.constant 81 : i32
        %rem3A_270 = vector.broadcast %rem3A_269 : i32 to vector<16xi32>
        %rem3A_271 = arith.remsi %add3A_268, %rem3A_270 : vector<16xi32>
        %mul3A_272 = arith.constant 81 : i32
        %mul3A_273 = vector.broadcast %mul3A_272 : i32 to vector<16xi32>
        %mul3A_274 = arith.muli %get3A_262, %mul3A_273 : vector<16xi32>
        %add3A_275 = arith.addi %mul3A_274, %rem3A_271 : vector<16xi32>
        %swap3A_276 = arith.constant 32 : index
        %swap3A_277 = tpu.vector_load %arg6[%swap3A_276] {strides = array<i32>} : memref<64xi32, #tpu.memory_space<vmem>>, vector<16xi32>,
        %swap3A_278 = vector.shape_cast %swap3A_277 : vector<16xi32> to vector<16xi32>
        %swap3A_279 = vector.shape_cast %add3A_275 : vector<16xi32> to vector<16xi32>
        tpu.vector_store %arg6[%swap3A_276], %swap3A_279 {strides = array<i32>} : memref<64xi32, #tpu.memory_space<vmem>>, vector<16xi32>,
        %add3A_280 = arith.constant 48 : i32
        %add3A_281 = arith.addi %mul3A_213, %add3A_280 : i32
        %get3A_282 = arith.index_cast %add3A_281 : i32 to index
        %get3A_283 = tpu.vector_load %arg5[%get3A_282] {strides = array<i32>} : memref<41472xi32, #tpu.memory_space<vmem>>, vector<16xi32>,
        %get3A_284 = vector.shape_cast %get3A_283 : vector<16xi32> to vector<16xi32>
        %add3A_285 = arith.addi %mul3A_2, %mul3A_213 : i32
        %add3A_286 = arith.constant 48 : i32
        %add3A_287 = arith.addi %add3A_285, %add3A_286 : i32
        %iota3A_288 = tpu.iota {dimensions = array<i32: 0>} : vector<16xi32>
        %add3A_289 = vector.broadcast %add3A_287 : i32 to vector<16xi32>
        %add3A_290 = arith.addi %add3A_289, %iota3A_288 : vector<16xi32>
        %rem3A_291 = arith.constant 81 : i32
        %rem3A_292 = vector.broadcast %rem3A_291 : i32 to vector<16xi32>
        %rem3A_293 = arith.remsi %add3A_290, %rem3A_292 : vector<16xi32>
        %mul3A_294 = arith.constant 81 : i32
        %mul3A_295 = vector.broadcast %mul3A_294 : i32 to vector<16xi32>
        %mul3A_296 = arith.muli %get3A_284, %mul3A_295 : vector<16xi32>
        %add3A_297 = arith.addi %mul3A_296, %rem3A_293 : vector<16xi32>
        %swap3A_298 = arith.constant 48 : index
        %swap3A_299 = tpu.vector_load %arg6[%swap3A_298] {strides = array<i32>} : memref<64xi32, #tpu.memory_space<vmem>>, vector<16xi32>,
        %swap3A_300 = vector.shape_cast %swap3A_299 : vector<16xi32> to vector<16xi32>
        %swap3A_301 = vector.shape_cast %add3A_297 : vector<16xi32> to vector<16xi32>
        tpu.vector_store %arg6[%swap3A_298], %swap3A_301 {strides = array<i32>} : memref<64xi32, #tpu.memory_space<vmem>>, vector<16xi32>,
        %dma_start3A_302 = arith.constant 0 : i32
        %dma_start3A_303 = arith.constant 0 : i32
        %dma_start3A_304 = tpu.memref_slice %arg3[%dma_start3A_302, %dma_start3A_303] : memref<810x512xf32, #tpu.memory_space<hbm>> -> memref<810x512xf32, #tpu.memory_space<hbm>>
        tpu.enqueue_indirect_dma source(%dma_start3A_304 : memref<810x512xf32, #tpu.memory_space<hbm>>) target(%arg8 : memref<64x512xf32, #tpu.memory_space<vmem>>) offsets(%arg6 : memref<64xi32, #tpu.memory_space<vmem>>) semaphore(%arg11 : memref<!tpu.dma_semaphore, #tpu.memory_space<semaphore_mem>>)
      } else {
      }
      %mul3A_206 = arith.constant 64 : i32
      %mul3A_207 = arith.muli %add3A_99, %mul3A_206 : i32
      %add3A_208 = arith.addi %mul3A_2, %mul3A_207 : i32
      "tpu.region"() ({
        %run_scoped3A = tpu.sem_alloc : memref<!tpu.dma_semaphore, #tpu.memory_space<semaphore_mem>>
        %dma_start3A_210 = arith.constant 0 : i32
        %dma_start3A_211 = tpu.memref_slice %arg4[%add3A_208, %dma_start3A_210] : memref<1327104x512xf32, #tpu.memory_space<hbm>> -> memref<64x512xf32, #tpu.memory_space<hbm>>
        %dma_start3A_212 = arith.constant 0 : i32
        %dma_start3A_213 = tpu.memref_slice %arg4[%add3A_208, %dma_start3A_212] : memref<1327104x512xf32, #tpu.memory_space<hbm>> -> memref<64x512xf32, #tpu.memory_space<hbm>>
        tpu.enqueue_dma source(%arg9 : memref<64x512xf32, #tpu.memory_space<vmem>>) target(%dma_start3A_213 : memref<64x512xf32, #tpu.memory_space<hbm>>) target_semaphore(%run_scoped3A : memref<!tpu.dma_semaphore, #tpu.memory_space<semaphore_mem>>)
        %dma_wait3A_214 = arith.constant 0 : i32
        %dma_wait3A_215 = tpu.memref_slice %arg4[%add3A_208, %dma_wait3A_214] : memref<1327104x512xf32, #tpu.memory_space<hbm>> -> memref<64x512xf32, #tpu.memory_space<hbm>>
        %dma_wait3A_216 = arith.constant 0 : i32
        %dma_wait3A_217 = tpu.memref_slice %arg4[%add3A_208, %dma_wait3A_216] : memref<1327104x512xf32, #tpu.memory_space<hbm>> -> memref<64x512xf32, #tpu.memory_space<hbm>>
        tpu.wait_dma2 semaphore(%run_scoped3A : memref<!tpu.dma_semaphore, #tpu.memory_space<semaphore_mem>>) src(%arg9 : memref<64x512xf32, #tpu.memory_space<vmem>>) dst(%dma_wait3A_217 : memref<64x512xf32, #tpu.memory_space<hbm>>)
        tpu.yield
      }) : () -> ()
      %scan3A_209 = arith.constant 0 : i32
      scf.yield %scan3A_209 : i32
    }
    %scan3A_93 = arith.constant 324 : i32
    return
  }
}

module attributes {stable_mosaic.version = 14 : i64} {
  func.func @_comb_body(%arg0: memref<10x512xf32, #tpu.memory_space<vmem>>, %arg1: memref<81x512xf32, #tpu.memory_space<vmem>>, %arg2: memref<10x81x512xf32, #tpu.memory_space<vmem>>) attributes {dimension_semantics = [], scalar_prefetch = 0 : i64, scratch_operands = 0 : i64, tpu.core_type = #tpu.core_type<tc>} {
    %get3A = arith.constant 0 : index
    %get3A_0 = arith.constant 0 : index
    %get3A_1 = vector.load %arg1[%get3A, %get3A_0] : memref<81x512xf32, #tpu.memory_space<vmem>>, vector<81x512xf32>
    %get3A_2 = arith.constant 0 : index
    %get3A_3 = arith.constant 0 : index
    %get3A_4 = vector.load %arg0[%get3A_2, %get3A_3] : memref<10x512xf32, #tpu.memory_space<vmem>>, vector<1x512xf32>
    %get3A_5 = vector.shape_cast %get3A_4 : vector<1x512xf32> to vector<512xf32>
    %broadcast_in_dim3A = vector.shape_cast %get3A_5 : vector<512xf32> to vector<1x512xf32>
    %broadcast_in_dim3A_6 = vector.shape_cast %broadcast_in_dim3A : vector<1x512xf32> to vector<1x512xf32>
    %broadcast_in_dim3A_7 = vector.broadcast %broadcast_in_dim3A_6 : vector<1x512xf32> to vector<81x512xf32>
    %add3A = arith.addf %get3A_1, %broadcast_in_dim3A_7 : vector<81x512xf32>
    %swap3A = arith.constant 0 : index
    %swap3A_8 = arith.constant 0 : index
    %swap3A_9 = arith.constant 0 : index
    %swap3A_10 = vector.load %arg2[%swap3A, %swap3A_8, %swap3A_9] : memref<10x81x512xf32, #tpu.memory_space<vmem>>, vector<1x81x512xf32>
    %swap3A_11 = vector.shape_cast %swap3A_10 : vector<1x81x512xf32> to vector<81x512xf32>
    %swap3A_12 = vector.shape_cast %add3A : vector<81x512xf32> to vector<1x81x512xf32>
    tpu.vector_store %arg2[%swap3A, %swap3A_8, %swap3A_9], %swap3A_12 {strides = array<i32>} : memref<10x81x512xf32, #tpu.memory_space<vmem>>, vector<1x81x512xf32>,
    %get3A_13 = arith.constant 1 : index
    %get3A_14 = arith.constant 0 : index
    %get3A_15 = vector.load %arg0[%get3A_13, %get3A_14] : memref<10x512xf32, #tpu.memory_space<vmem>>, vector<1x512xf32>
    %get3A_16 = vector.shape_cast %get3A_15 : vector<1x512xf32> to vector<512xf32>
    %broadcast_in_dim3A_17 = vector.shape_cast %get3A_16 : vector<512xf32> to vector<1x512xf32>
    %broadcast_in_dim3A_18 = vector.shape_cast %broadcast_in_dim3A_17 : vector<1x512xf32> to vector<1x512xf32>
    %broadcast_in_dim3A_19 = vector.broadcast %broadcast_in_dim3A_18 : vector<1x512xf32> to vector<81x512xf32>
    %add3A_20 = arith.addf %get3A_1, %broadcast_in_dim3A_19 : vector<81x512xf32>
    %swap3A_21 = arith.constant 1 : index
    %swap3A_22 = arith.constant 0 : index
    %swap3A_23 = arith.constant 0 : index
    %swap3A_24 = vector.load %arg2[%swap3A_21, %swap3A_22, %swap3A_23] : memref<10x81x512xf32, #tpu.memory_space<vmem>>, vector<1x81x512xf32>
    %swap3A_25 = vector.shape_cast %swap3A_24 : vector<1x81x512xf32> to vector<81x512xf32>
    %swap3A_26 = vector.shape_cast %add3A_20 : vector<81x512xf32> to vector<1x81x512xf32>
    tpu.vector_store %arg2[%swap3A_21, %swap3A_22, %swap3A_23], %swap3A_26 {strides = array<i32>} : memref<10x81x512xf32, #tpu.memory_space<vmem>>, vector<1x81x512xf32>,
    %get3A_27 = arith.constant 2 : index
    %get3A_28 = arith.constant 0 : index
    %get3A_29 = vector.load %arg0[%get3A_27, %get3A_28] : memref<10x512xf32, #tpu.memory_space<vmem>>, vector<1x512xf32>
    %get3A_30 = vector.shape_cast %get3A_29 : vector<1x512xf32> to vector<512xf32>
    %broadcast_in_dim3A_31 = vector.shape_cast %get3A_30 : vector<512xf32> to vector<1x512xf32>
    %broadcast_in_dim3A_32 = vector.shape_cast %broadcast_in_dim3A_31 : vector<1x512xf32> to vector<1x512xf32>
    %broadcast_in_dim3A_33 = vector.broadcast %broadcast_in_dim3A_32 : vector<1x512xf32> to vector<81x512xf32>
    %add3A_34 = arith.addf %get3A_1, %broadcast_in_dim3A_33 : vector<81x512xf32>
    %swap3A_35 = arith.constant 2 : index
    %swap3A_36 = arith.constant 0 : index
    %swap3A_37 = arith.constant 0 : index
    %swap3A_38 = vector.load %arg2[%swap3A_35, %swap3A_36, %swap3A_37] : memref<10x81x512xf32, #tpu.memory_space<vmem>>, vector<1x81x512xf32>
    %swap3A_39 = vector.shape_cast %swap3A_38 : vector<1x81x512xf32> to vector<81x512xf32>
    %swap3A_40 = vector.shape_cast %add3A_34 : vector<81x512xf32> to vector<1x81x512xf32>
    tpu.vector_store %arg2[%swap3A_35, %swap3A_36, %swap3A_37], %swap3A_40 {strides = array<i32>} : memref<10x81x512xf32, #tpu.memory_space<vmem>>, vector<1x81x512xf32>,
    %get3A_41 = arith.constant 3 : index
    %get3A_42 = arith.constant 0 : index
    %get3A_43 = vector.load %arg0[%get3A_41, %get3A_42] : memref<10x512xf32, #tpu.memory_space<vmem>>, vector<1x512xf32>
    %get3A_44 = vector.shape_cast %get3A_43 : vector<1x512xf32> to vector<512xf32>
    %broadcast_in_dim3A_45 = vector.shape_cast %get3A_44 : vector<512xf32> to vector<1x512xf32>
    %broadcast_in_dim3A_46 = vector.shape_cast %broadcast_in_dim3A_45 : vector<1x512xf32> to vector<1x512xf32>
    %broadcast_in_dim3A_47 = vector.broadcast %broadcast_in_dim3A_46 : vector<1x512xf32> to vector<81x512xf32>
    %add3A_48 = arith.addf %get3A_1, %broadcast_in_dim3A_47 : vector<81x512xf32>
    %swap3A_49 = arith.constant 3 : index
    %swap3A_50 = arith.constant 0 : index
    %swap3A_51 = arith.constant 0 : index
    %swap3A_52 = vector.load %arg2[%swap3A_49, %swap3A_50, %swap3A_51] : memref<10x81x512xf32, #tpu.memory_space<vmem>>, vector<1x81x512xf32>
    %swap3A_53 = vector.shape_cast %swap3A_52 : vector<1x81x512xf32> to vector<81x512xf32>
    %swap3A_54 = vector.shape_cast %add3A_48 : vector<81x512xf32> to vector<1x81x512xf32>
    tpu.vector_store %arg2[%swap3A_49, %swap3A_50, %swap3A_51], %swap3A_54 {strides = array<i32>} : memref<10x81x512xf32, #tpu.memory_space<vmem>>, vector<1x81x512xf32>,
    %get3A_55 = arith.constant 4 : index
    %get3A_56 = arith.constant 0 : index
    %get3A_57 = vector.load %arg0[%get3A_55, %get3A_56] : memref<10x512xf32, #tpu.memory_space<vmem>>, vector<1x512xf32>
    %get3A_58 = vector.shape_cast %get3A_57 : vector<1x512xf32> to vector<512xf32>
    %broadcast_in_dim3A_59 = vector.shape_cast %get3A_58 : vector<512xf32> to vector<1x512xf32>
    %broadcast_in_dim3A_60 = vector.shape_cast %broadcast_in_dim3A_59 : vector<1x512xf32> to vector<1x512xf32>
    %broadcast_in_dim3A_61 = vector.broadcast %broadcast_in_dim3A_60 : vector<1x512xf32> to vector<81x512xf32>
    %add3A_62 = arith.addf %get3A_1, %broadcast_in_dim3A_61 : vector<81x512xf32>
    %swap3A_63 = arith.constant 4 : index
    %swap3A_64 = arith.constant 0 : index
    %swap3A_65 = arith.constant 0 : index
    %swap3A_66 = vector.load %arg2[%swap3A_63, %swap3A_64, %swap3A_65] : memref<10x81x512xf32, #tpu.memory_space<vmem>>, vector<1x81x512xf32>
    %swap3A_67 = vector.shape_cast %swap3A_66 : vector<1x81x512xf32> to vector<81x512xf32>
    %swap3A_68 = vector.shape_cast %add3A_62 : vector<81x512xf32> to vector<1x81x512xf32>
    tpu.vector_store %arg2[%swap3A_63, %swap3A_64, %swap3A_65], %swap3A_68 {strides = array<i32>} : memref<10x81x512xf32, #tpu.memory_space<vmem>>, vector<1x81x512xf32>,
    %get3A_69 = arith.constant 5 : index
    %get3A_70 = arith.constant 0 : index
    %get3A_71 = vector.load %arg0[%get3A_69, %get3A_70] : memref<10x512xf32, #tpu.memory_space<vmem>>, vector<1x512xf32>
    %get3A_72 = vector.shape_cast %get3A_71 : vector<1x512xf32> to vector<512xf32>
    %broadcast_in_dim3A_73 = vector.shape_cast %get3A_72 : vector<512xf32> to vector<1x512xf32>
    %broadcast_in_dim3A_74 = vector.shape_cast %broadcast_in_dim3A_73 : vector<1x512xf32> to vector<1x512xf32>
    %broadcast_in_dim3A_75 = vector.broadcast %broadcast_in_dim3A_74 : vector<1x512xf32> to vector<81x512xf32>
    %add3A_76 = arith.addf %get3A_1, %broadcast_in_dim3A_75 : vector<81x512xf32>
    %swap3A_77 = arith.constant 5 : index
    %swap3A_78 = arith.constant 0 : index
    %swap3A_79 = arith.constant 0 : index
    %swap3A_80 = vector.load %arg2[%swap3A_77, %swap3A_78, %swap3A_79] : memref<10x81x512xf32, #tpu.memory_space<vmem>>, vector<1x81x512xf32>
    %swap3A_81 = vector.shape_cast %swap3A_80 : vector<1x81x512xf32> to vector<81x512xf32>
    %swap3A_82 = vector.shape_cast %add3A_76 : vector<81x512xf32> to vector<1x81x512xf32>
    tpu.vector_store %arg2[%swap3A_77, %swap3A_78, %swap3A_79], %swap3A_82 {strides = array<i32>} : memref<10x81x512xf32, #tpu.memory_space<vmem>>, vector<1x81x512xf32>,
    %get3A_83 = arith.constant 6 : index
    %get3A_84 = arith.constant 0 : index
    %get3A_85 = vector.load %arg0[%get3A_83, %get3A_84] : memref<10x512xf32, #tpu.memory_space<vmem>>, vector<1x512xf32>
    %get3A_86 = vector.shape_cast %get3A_85 : vector<1x512xf32> to vector<512xf32>
    %broadcast_in_dim3A_87 = vector.shape_cast %get3A_86 : vector<512xf32> to vector<1x512xf32>
    %broadcast_in_dim3A_88 = vector.shape_cast %broadcast_in_dim3A_87 : vector<1x512xf32> to vector<1x512xf32>
    %broadcast_in_dim3A_89 = vector.broadcast %broadcast_in_dim3A_88 : vector<1x512xf32> to vector<81x512xf32>
    %add3A_90 = arith.addf %get3A_1, %broadcast_in_dim3A_89 : vector<81x512xf32>
    %swap3A_91 = arith.constant 6 : index
    %swap3A_92 = arith.constant 0 : index
    %swap3A_93 = arith.constant 0 : index
    %swap3A_94 = vector.load %arg2[%swap3A_91, %swap3A_92, %swap3A_93] : memref<10x81x512xf32, #tpu.memory_space<vmem>>, vector<1x81x512xf32>
    %swap3A_95 = vector.shape_cast %swap3A_94 : vector<1x81x512xf32> to vector<81x512xf32>
    %swap3A_96 = vector.shape_cast %add3A_90 : vector<81x512xf32> to vector<1x81x512xf32>
    tpu.vector_store %arg2[%swap3A_91, %swap3A_92, %swap3A_93], %swap3A_96 {strides = array<i32>} : memref<10x81x512xf32, #tpu.memory_space<vmem>>, vector<1x81x512xf32>,
    %get3A_97 = arith.constant 7 : index
    %get3A_98 = arith.constant 0 : index
    %get3A_99 = vector.load %arg0[%get3A_97, %get3A_98] : memref<10x512xf32, #tpu.memory_space<vmem>>, vector<1x512xf32>
    %get3A_100 = vector.shape_cast %get3A_99 : vector<1x512xf32> to vector<512xf32>
    %broadcast_in_dim3A_101 = vector.shape_cast %get3A_100 : vector<512xf32> to vector<1x512xf32>
    %broadcast_in_dim3A_102 = vector.shape_cast %broadcast_in_dim3A_101 : vector<1x512xf32> to vector<1x512xf32>
    %broadcast_in_dim3A_103 = vector.broadcast %broadcast_in_dim3A_102 : vector<1x512xf32> to vector<81x512xf32>
    %add3A_104 = arith.addf %get3A_1, %broadcast_in_dim3A_103 : vector<81x512xf32>
    %swap3A_105 = arith.constant 7 : index
    %swap3A_106 = arith.constant 0 : index
    %swap3A_107 = arith.constant 0 : index
    %swap3A_108 = vector.load %arg2[%swap3A_105, %swap3A_106, %swap3A_107] : memref<10x81x512xf32, #tpu.memory_space<vmem>>, vector<1x81x512xf32>
    %swap3A_109 = vector.shape_cast %swap3A_108 : vector<1x81x512xf32> to vector<81x512xf32>
    %swap3A_110 = vector.shape_cast %add3A_104 : vector<81x512xf32> to vector<1x81x512xf32>
    tpu.vector_store %arg2[%swap3A_105, %swap3A_106, %swap3A_107], %swap3A_110 {strides = array<i32>} : memref<10x81x512xf32, #tpu.memory_space<vmem>>, vector<1x81x512xf32>,
    %get3A_111 = arith.constant 8 : index
    %get3A_112 = arith.constant 0 : index
    %get3A_113 = vector.load %arg0[%get3A_111, %get3A_112] : memref<10x512xf32, #tpu.memory_space<vmem>>, vector<1x512xf32>
    %get3A_114 = vector.shape_cast %get3A_113 : vector<1x512xf32> to vector<512xf32>
    %broadcast_in_dim3A_115 = vector.shape_cast %get3A_114 : vector<512xf32> to vector<1x512xf32>
    %broadcast_in_dim3A_116 = vector.shape_cast %broadcast_in_dim3A_115 : vector<1x512xf32> to vector<1x512xf32>
    %broadcast_in_dim3A_117 = vector.broadcast %broadcast_in_dim3A_116 : vector<1x512xf32> to vector<81x512xf32>
    %add3A_118 = arith.addf %get3A_1, %broadcast_in_dim3A_117 : vector<81x512xf32>
    %swap3A_119 = arith.constant 8 : index
    %swap3A_120 = arith.constant 0 : index
    %swap3A_121 = arith.constant 0 : index
    %swap3A_122 = vector.load %arg2[%swap3A_119, %swap3A_120, %swap3A_121] : memref<10x81x512xf32, #tpu.memory_space<vmem>>, vector<1x81x512xf32>
    %swap3A_123 = vector.shape_cast %swap3A_122 : vector<1x81x512xf32> to vector<81x512xf32>
    %swap3A_124 = vector.shape_cast %add3A_118 : vector<81x512xf32> to vector<1x81x512xf32>
    tpu.vector_store %arg2[%swap3A_119, %swap3A_120, %swap3A_121], %swap3A_124 {strides = array<i32>} : memref<10x81x512xf32, #tpu.memory_space<vmem>>, vector<1x81x512xf32>,
    %get3A_125 = arith.constant 9 : index
    %get3A_126 = arith.constant 0 : index
    %get3A_127 = vector.load %arg0[%get3A_125, %get3A_126] : memref<10x512xf32, #tpu.memory_space<vmem>>, vector<1x512xf32>
    %get3A_128 = vector.shape_cast %get3A_127 : vector<1x512xf32> to vector<512xf32>
    %broadcast_in_dim3A_129 = vector.shape_cast %get3A_128 : vector<512xf32> to vector<1x512xf32>
    %broadcast_in_dim3A_130 = vector.shape_cast %broadcast_in_dim3A_129 : vector<1x512xf32> to vector<1x512xf32>
    %broadcast_in_dim3A_131 = vector.broadcast %broadcast_in_dim3A_130 : vector<1x512xf32> to vector<81x512xf32>
    %add3A_132 = arith.addf %get3A_1, %broadcast_in_dim3A_131 : vector<81x512xf32>
    %swap3A_133 = arith.constant 9 : index
    %swap3A_134 = arith.constant 0 : index
    %swap3A_135 = arith.constant 0 : index
    %swap3A_136 = vector.load %arg2[%swap3A_133, %swap3A_134, %swap3A_135] : memref<10x81x512xf32, #tpu.memory_space<vmem>>, vector<1x81x512xf32>
    %swap3A_137 = vector.shape_cast %swap3A_136 : vector<1x81x512xf32> to vector<81x512xf32>
    %swap3A_138 = vector.shape_cast %add3A_132 : vector<81x512xf32> to vector<1x81x512xf32>
    tpu.vector_store %arg2[%swap3A_133, %swap3A_134, %swap3A_135], %swap3A_138 {strides = array<i32>} : memref<10x81x512xf32, #tpu.memory_space<vmem>>, vector<1x81x512xf32>,
    return
  }
}

</mosaic_0001>

<sc_bundles>
// kernel: kernel.4.cloned.1.call-start
scs
__scs_entry_jumppad:
0x0: {  	(pc) =	sbr.rel $0x88, $3  }
0x1: {  	(tag) =	ssettag $0x0;
	lr =	simm.s32 $0x1  }
0x2: {  	[smem:$0x3F9E] =	sst lr;
	_ =	strace $0xD0000000  }
0x3: {  	_ = 	snop  }
0x4: {  	_ = 	snop  }
0x5: {  	_ = 	snop  }
0x6: {  	_ = 	snop  }
0x7: {  	_ = 	snop  }
__scs_overlays_trampoline_lowered:
0x8: {  	[smem:$0x3FAD] =	sst s0  }
0x9: {  	[smem:$0x3FAE] =	sst s1  }
0xa: {  	[smem:$0x3FAF] =	sst s2  }
0xb: {  	[smem:$0x3FB0] =	sst s3  }
0xc: {  	[smem:$0x3FB1] =	sst s4  }
0xd: {  	[smem:$0x3FB2] =	sst s5  }
0xe: {  	[smem:$0x3FB3] =	sst s6  }
0xf: {  	[smem:$0x3FB4] =	sst s7  }
0x10: {  	[smem:$0x3FB5] =	sst s8  }
0x11: {  	[smem:$0x3FB6] =	sst s9;
	s0 =	simm.s32 @!p0 $0x0  }
0x12: {  	s1 =	sld [smem:$0x3F9C];
	s0 =	simm.s32 @p0 $0x1  }
0x13: {  	[smem:$0x3FB7] =	sst s0;
	s0 =	simm.s32 @!p1 $0x0  }
0x14: {  	s2 =	sld [smem:$0x3F9B];
	s0 =	simm.s32 @p1 $0x1  }
0x15: {  	[smem:$0x3FB8] =	sst s0;
	s0 =	simm.s32 @!p2 $0x0  }
0x16: {  	s3 =	sld [smem:$0x3FDB];
	s0 =	simm.s32 @p2 $0x1  }
0x17: {  	s4 =	simm.s32 $0x1BF5;
	[smem:$0x3FBA] =	sst s0  }
0x18: {  	s0 =	sld [smem:$0x3F9D];
	_ =	swait.ge [sflag:s4], $0x0  }
0x19: {  	s7 =	sld [smem:$0x3F9E]  }
0x1a: {  	s8 =	sadd.s32 $0xFFFFE003, lr  }
0x1b: {  	s9 =	sadd.s32 $0xFFFFFEF7, lr;
	s5 =	simm.s32 $0xFFFFFFFF;
	p2 =	slt.u32 s8, $0xFFFFF086  }
0x1c: {  	p1 =	slt.u32 s9, $0xF7A;
	s5 =	simm.s32 @!p2 $0x0  }
0x1d: {  	s5 =	simm.s32 @p1 $0x1;
	p0 =	seq.s32 s7, s2  }
0x1e: {  	s7 =	smul.u32 @!p0 $0xF7A, s2;
	p2 =	seq.s32 @!p0 s5, $0x0  }
0x1f: {  	s9 =	smul.u32 $0xF7A, s1;
	s8 =	simm.s32 @!p0 $0x1BF5;
	p2 =	por !p2, p0  }
0x20: {  	[sflag:s8] =	ssyncset.s32 @!p0 $0xFFFFF086;
	s6 =	sadd.s32 @!p0 s3, s7;
	s7 =	simm.s32 @!p0 $0x108  }
0x21: {  	s3 =	sadd.s32 s3, s9;
	s6 =	sadd.s32 @!p0 $0x88, s6;
	s7 =	simm.s32 @p2 $0x1082  }
0x22: {  	[simem:s7], [sflag:s8] =	dma.local @!p0 [hbm:s6], $0xF7A  }
0x23: {  	s9 =	sor.u32 $0xD0000000, s2;
	s6 =	simm.s32 $0x108;
	_ =	swait.ge @!p0 [sflag:s8], $0x0  }
0x24: {  	s3 =	sadd.s32 $0x88, s3;
	s6 =	simm.s32 @!p1 $0x1082;
	[sflag:s4] =	ssyncset.s32 $0xFFFFF086  }
0x25: {  	[simem:s6], [sflag:s4] =	dma.local [hbm:s3], $0xF7A  }
0x26: {  	[smem:$0x3F9E] =	sst s1;
	(tag) =	ssettag s2;
	_ =	strace s9  }
0x27: {  	s1 =	sld [smem:$0x3FAE]  }
0x28: {  	s2 =	sld [smem:$0x3FAF]  }
0x29: {  	s4 =	sld [smem:$0x3FB1]  }
0x2a: {  	p0 =	seq.s32 s5, $0x0;
	s5 =	sld [smem:$0x3FB2]  }
0x2b: {  	s6 =	sld [smem:$0x3FB3]  }
0x2c: {  	s7 =	sld [smem:$0x3FB4]  }
0x2d: {  	s3 =	simm.s32 $0x108;
	s8 =	sld [smem:$0x3FB5]  }
0x2e: {  	s3 =	simm.s32 @!p0 $0x1082;
	s9 =	sld [smem:$0x3FB6]  }
0x2f: {  	lr =	sadd.s32 s0, s3;
	s0 =	sld [smem:$0x3FAD]  }
0x30: {  	s3 =	sld [smem:$0x3FB0]  }
0x31: {  	[smem:$0x3FB9] =	sst s10  }
0x32: {  	s10 =	sld [smem:$0x3FB7];
	_ =	sdelay $0x3  }
0x33: {  	p0 =	seq.s32 s10, $0x1;
	s10 =	sld [smem:$0x3FB9];
	_ =	sdelay $0x3  }
0x34: {  	[smem:$0x3FB9] =	sst s10  }
0x35: {  	s10 =	sld [smem:$0x3FB8];
	_ =	sdelay $0x3  }
0x36: {  	p1 =	seq.s32 s10, $0x1;
	s10 =	sld [smem:$0x3FB9];
	_ =	sdelay $0x3  }
0x37: {  	[smem:$0x3FB9] =	sst s10  }
0x38: {  	s10 =	sld [smem:$0x3FBA]  }
0x39: {  	_ = 	snop;
	(pc) =	sbr.ind lr, $3  }
0x3a: {  	_ = 	snop  }
0x3b: {  	_ = 	snop  }
0x3c: {  	p2 =	seq.s32 s10, $0x1;
	s10 =	sld [smem:$0x3FB9]  }
0x3d: {  	_ =	shalt  }
0x3e: {  	_ =	shalt  }
0x3f: {  	_ =	shalt  }
0x40: {  	_ =	shalt  }
0x41: {  	_ =	shalt  }
0x42: {  	_ =	shalt  }
0x43: {  	_ =	shalt  }
0x44: {  	_ =	shalt  }
0x45: {  	_ =	shalt  }
0x46: {  	_ =	shalt  }
0x47: {  	_ =	shalt  }
0x48: {  	_ =	shalt  }
0x49: {  	_ =	shalt  }
0x4a: {  	_ =	shalt  }
0x4b: {  	_ =	shalt  }
0x4c: {  	_ =	shalt  }
0x4d: {  	_ =	shalt  }
0x4e: {  	_ =	shalt  }
0x4f: {  	_ =	shalt  }
0x50: {  	_ =	shalt  }
0x51: {  	_ =	shalt  }
0x52: {  	_ =	shalt  }
0x53: {  	_ =	shalt  }
0x54: {  	_ =	shalt  }
0x55: {  	_ =	shalt  }
0x56: {  	_ =	shalt  }
0x57: {  	_ =	shalt  }
0x58: {  	_ =	shalt  }
0x59: {  	_ =	shalt  }
0x5a: {  	_ =	shalt  }
0x5b: {  	_ =	shalt  }
0x5c: {  	_ =	shalt  }
0x5d: {  	_ =	shalt  }
0x5e: {  	_ =	shalt  }
0x5f: {  	_ =	shalt  }
0x60: {  	_ =	shalt  }
0x61: {  	_ =	shalt  }
0x62: {  	_ =	shalt  }
0x63: {  	_ =	shalt  }
0x64: {  	_ =	shalt  }
0x65: {  	_ =	shalt  }
0x66: {  	_ =	shalt  }
0x67: {  	_ =	shalt  }
0x68: {  	_ =	shalt  }
0x69: {  	_ =	shalt  }
0x6a: {  	_ =	shalt  }
0x6b: {  	_ =	shalt  }
0x6c: {  	_ =	shalt  }
0x6d: {  	_ =	shalt  }
0x6e: {  	_ =	shalt  }
0x6f: {  	_ =	shalt  }
0x70: {  	_ =	shalt  }
0x71: {  	_ =	shalt  }
0x72: {  	_ =	shalt  }
0x73: {  	_ =	shalt  }
0x74: {  	_ =	shalt  }
0x75: {  	_ =	shalt  }
0x76: {  	_ =	shalt  }
0x77: {  	_ =	shalt  }
0x78: {  	_ =	shalt  }
0x79: {  	_ =	shalt  }
0x7a: {  	_ =	shalt  }
0x7b: {  	_ =	shalt  }
0x7c: {  	_ =	shalt  }
0x7d: {  	_ =	shalt  }
0x7e: {  	_ =	shalt  }
0x7f: {  	_ =	shalt  }
0x80: {  	_ =	shalt  }
0x81: {  	_ =	shalt  }
0x82: {  	_ =	shalt  }
0x83: {  	_ =	shalt  }
0x84: {  	_ =	shalt  }
0x85: {  	_ =	shalt  }
0x86: {  	_ =	shalt  }
0x87: {  	_ =	shalt  }
.Lfunc_end0:
.L_simem_size_0:
called_computation.1_lowered:
.L_overlay_start_0:
0x88: {  	s2 =	sld [smem:$0x3FD9]  }
0x89: {  	s3 =	sld [smem:$0x3FFE];
	_ =	sdelay $0x1  }
0x8a: {  	s1 =	srdreg.scid  }
0x8b: {  	s0 =	sand.u32 $0x1, s1  }
0x8c: {  	s17 =	sshll.u32 s0, $0xA;
	s2 =	sadd.s32 s3, s2  }
0x8d: {  	s2 =	sadd.s32 s2, s17  }
0x8e: {  	[smem:$0x3FC5] =	sst s2  }
0x8f: {  	_ = 	snop  }
0x90: {  	s2 =	sld [smem:$0x3FD0];
	(tm) =	ssettm $0x1  }
0x91: {  	s18 =	sld [smem:$0x3FFB];
	_ =	sdelay $0x3  }
0x92: {  	_ =	strace s18  }
0x93: {  	s3 =	sld [smem:$0x3FFC];
	_ =	sdelay $0x3  }
0x94: {  	_ =	strace s3  }
0x95: {  	s3 =	sld [smem:$0x3FFD];
	_ =	sdelay $0x3  }
0x96: {  	_ =	strace s3  }
0x97: {  	_ =	strace $0x8FFFFFFF  }
0x98: {  	s19 =	sld [smem:$0x3FDB];
	_ =	sdelay $0x1  }
0x99: {  	s4 =	simm.s32 $_scs_section_size  }
0x9a: {  	s5 =	simm.s32 $_size__tile_overlayer_lowered;
	s6 =	simm.s32 $_tile_overlayer_lowered  }
0x9b: {  	s22 =	simm.s32 $0x1BFF;
	s21 =	sshll.u32 s6, $0x1;
	s3 =	sadd.s32 s4, s19  }
0x9c: {  	s7 =	simm.s32 $0x0;
	s20 =	sshll.u32 s5, $0x1;
	s5 =	sadd.s32 s21, s3  }
0x9d: {  	[timem:s7], [sflag:s22] =	dma.local [hbm:s5], s20  }
0x9e: {  	_ =	swait.ge [sflag:s22], s20  }
0x9f: {  	s4 =	ssub.s32 $0x0, s20;
	[sflag:s22] =	ssyncset.done $0x0  }
0xa0: {  	[sflag:s22] =	ssyncadd.s32 s4;
	_ =	sdelay $0x1  }
0xa1: {  	s23 =	simm.s32 $0x1B8B  }
0xa2: {  	_ =	swait.ge [sflag:s23], $0x1  }
0xa3: {  	[sflag:s23] =	ssyncset.done $0x0  }
0xa4: {  	s25 =	simm.s32 $0x1B8E;
	s24 =	sld [smem:$0x3FFE];
	[sflag:s23] =	ssyncadd.s32 $0xFFFFFFFF  }
0xa5: {  	s26 =	simm.s32 $execute0_lowered;
	[smem:$0x3FD2] =	sst s25  }
0xa6: {  	s5 =	sshll.u32 s26, $0x1;
	_ =	strace $0x80000046;
	[dreg:$0x1] =	wrdreg $0xFFFFFFFF  }
0xa7: {  	s28 =	simm.s32 $_size_execute0_lowered;
	s3 =	sadd.s32 s3, s5;
	[dreg:$0x0] =	wrdreg $0x0  }
0xa8: {  	s5 =	sshll.u32 s28, $0x1;
	[dreg:$0x2] =	wrdreg s3  }
0xa9: {  	[dreg:$0x3] =	wrdreg s5  }
0xaa: {  	[dreg:$0x4] =	wrdreg $0xC0  }
0xab: {  	_ =	task [dreg:s7], $0x5FFFF  }
0xac: {  	[dreg:$0x1] =	wrdreg $0xFFFFFFFF  }
0xad: {  	[dreg:$0x0] =	wrdreg $0x60  }
0xae: {  	[dreg:$0x2] =	wrdreg s24  }
0xaf: {  	[dreg:$0x3] =	wrdreg s2  }
0xb0: {  	[dreg:$0x4] =	wrdreg $0x9  }
0xb1: {  	_ =	task.clear_ibuf [dreg:s7], $0x5FFFF;
	_ =	strace $0x90000046  }
0xb2: {  	s29 =	simm.s32 $0x9;
	_ =	strace $0x80000048  }
0xb3: {  	_ =	swait.ge [sflag:s29], $0x1  }
0xb4: {  	[sflag:s29] =	ssyncadd.s32 $0xFFFFFFFF  }
0xb5: {  	_ =	strace $0x90000048  }
0xb6: {  	_ =	sfence  }
0xb7: {  	s30 =	sld [smem:$0x0];
	_ =	sdelay $0x2  }
0xb8: {  	s31 =	sshll.u32 s1, $0xD;
	s1 =	sshrl.u32 s1, $0x2  }
0xb9: {  	s3 =	sand.u32 $0x4000, s31;
	s1 =	sadd.s32 s1, s30  }
0xba: {  	s0 =	sor.u32 s3, s0;
	s1 =	sshll.u32 s1, $0x11  }
0xbb: {  	s0 =	sor.u32 s1, s0  }
0xbc: {  	s0 =	sadd.s32 $0x8F2B, s0  }
0xbd: {  	[sflag:s0] =	ssyncadd.remote.s32 $0x1  }
0xbe: {  	_ =	sfence.sel $0xFFFF  }
0xbf: {  	[dreg:$0x0] =	wrdreg $0xFFFFFFFF;
	(pc) =	sbr.abs _section_cstart, $3  }
0xc0: {  	[dreg:$0x1] =	wrdreg $0xFFFFFFFF  }
0xc1: {  	_ =	task.clear_ibuf [dreg:s7], $0x2FFFF;
	_ =	strace $0x9FFFFFFF  }
0xc2: {  	(tm) =	ssettm $0x7FFFFFFF  }
0xc3: {  	_ =	shalt  }
tec
execute0_lowered:
.L_overlay_start_1:
0x0: {  	(tag) =	ssettag $0x1  }
0x1: {  	s0 =	srdreg.scid  }
0x2: {  	s14 =	stileid.u32;
	s1 =	rddreg [dreg:$0x0]  }
0x3: {  	s4 =	rddreg [dreg:$0x1];
	s28 =	simm.s32 $0x2;
	s29 =	simm.s32 $0x12300  }
0x4: {  	s30 =	simm.s32 $0x12B00;
	s31 =	simm.s32 $0x13300;
	s9 =	smul.u32 $0x2880000, s14  }
0x5: {  	s15 =	simm.s32 $0x18B00;
	s16 =	simm.s32 $0x19300;
	s11 =	smul.u32 $0x14400, s14  }
0x6: {  	s0 =	sand.u32 $0x1, s0;
	s2 =	sshll.u32 s14, $0x1;
	s14 =	smul.u32 $0x510000, s14  }
0x7: {  	s17 =	simm.s32 $0x19B00;
	s18 =	simm.s32 $0x4;
	s10 =	smul.u32 $0x1440000, s0  }
0x8: {  	s19 =	simm.s32 $0x3;
	s3 =	sor.u32 s0, s2;
	s23 =	smul.u32 $0x288000, s0  }
0x9: {  	s2 =	simm.s32 $0x0;
	s5 =	ssub.s32 $0x2, s0;
	s0 =	smul.u32 $0xA200, s0  }
0xa: {  	s6 =	smul.u32 $0xA200, s3;
	[smem:$0x7FF] =	sst s2;
	s8 =	sshrl.u32 s5, $0x1  }
0xb: {  	v0 =	vlaneseq.u32;
	s24 =	sadd.s32 s14, s4;
	s14 =	simm.s32 $0x18300;
	_ =	strace $0x80000047  }
0xc: {  	s8 =	ssub.s32 s5, s8;
	s5 =	sadd.s32 $0xD00, s1;
	s21 =	sor.u32 $0x10, s6;
	v1 =	vor.u32 s6, v0  }
0xd: {  	s22 =	sadd.s32 s10, s9;
	s25 =	sadd.s32 s23, s24;
	s12 =	sor.u32 $0x20, s6;
	v2 =	vmulhi.u32 $0xCA4587E7, v1;
	v3 =	vor.u32 s21, v0  }
0xe: {  	s9 =	simm.s32 $0x16300;
	s10 =	simm.s32 $0x16B00;
	s13 =	sor.u32 $0x30, s6;
	v5 =	vor.u32 s12, v0;
	v4 =	vmulhi.u32 $0xCA4587E7, v3  }
0xf: {  	s3 =	sshrl.u32 s6, $0x3;
	s8 =	smax.u32 s8, $0x1;
	s26 =	sadd.s32 $0x1000, s25;
	v7 =	vor.u32 s13, v0;
	v6 =	vmulhi.u32 $0xCA4587E7, v5  }
0x10: {  	s6 =	simm.s32 $0x15300;
	s7 =	sadd.s32 s3, s1;
	s3 =	sadd.s32 $0xC00, s1;
	v8 =	vmulhi.u32 $0xCA4587E7, v7;
	v2 =	vshrl.u32 v2, $0x6  }
0x11: {  	s1 =	sshrl.u32 s22, $0x3;
	[dreg:$0x4] =	wrdreg s8;
	s8 =	sadd.s32 s0, s11;
	v2 =	vmul.u32 $0x51, v2;
	v4 =	vshrl.u32 v4, $0x6  }
.Ltmp0:
0x12: {  	[dreg:$0x6] =	wrdreg s26;
	s11 =	simm.s32 $0xA300;
	v6 =	vshrl.u32 v6, $0x6;
	v8 =	vshrl.u32 v8, $0x6;
	v4 =	vmul.u32 $0x51, v4;
	(pc) =	sbr.rel .LBB2_1-.Ltmp0, $4  }
0x13: {  	s26 =	simm.s32 $0x11B00;
	s0 =	simm.s32 $0x14300;
	s12 =	simm.s32 $0x17300;
	v6 =	vmul.u32 $0x51, v6;
	v8 =	vmul.u32 $0x51, v8  }
0x14: {  	vm0 =	vmmov $0xffff;
	s13 =	simm.s32 $0x17B00;
	s21 =	simm.s32 $0x0;
	s20 =	sadd.s32 $0xD800, s7;
	v1 =	vsub.s32 v1, v2;
	v2 =	vsub.s32 v3, v4  }
0x15: {  	s1 =	sadd.s32 s1, s4;
	s4 =	simm.s32 $0x14B00;
	[dreg:$0x3] =	wrdreg s20;
	v3 =	vsub.s32 v5, v6;
	v4 =	vsub.s32 v7, v8;
	v6 =	vshrl.u32 v0, $0x3  }
0x16: {  	s7 =	simm.s32 $0x15B00;
	[dreg:$0x5] =	wrdreg s1;
	s1 =	simm.s32 $0x13B00;
	v5 =	vand.u32 $0x7, v0;
	v7 =	vor.u32 $0x8, v0;
	v6 =	vmul.u32 $0x8, v6  }
.LBB2_5:
0x17: {  	s21 =	rddreg [dreg:$0x7]  }
0x18: {  	s20 =	rddreg [dreg:$0x4];
	s21 =	sadd.s32 $0x1, s21  }
0x19: {  	p0 =	sne.s32 s21, s20  }
.Ltmp1:
0x1a: {  	_ = 	snop;
	(pc) =	sbr.rel @!p0 .LBB2_6-.Ltmp1, $1  }
0x1b: {  	_ =	sdelay $0x3  }
.LBB2_1:
0x1c: {  	[dreg:$0x7] =	wrdreg s21  }
0x1d: {  	s20 =	rddreg [dreg:$0x3];
	s21 =	simm.s32 $0x1  }
0x1e: {  	[tilespmem:s2], [sflag:$0x1] =	stream.linear.gather [hbm4b:s20+s2], $0xA200, $0x38;
	[tilespmem:$0x1A300] =	vst v63  }
0x1f: {  	_ =	swait.ge [sflag:s21], $0xA200  }
0x20: {  	[sflag:s21] =	ssyncset.done $0x0  }
0x21: {  	[sflag:s21] =	ssyncadd.s32 $0xFFFF5E00  }
0x22: {  	v8 =	vld [tilespmem:$0x0];
	_ =	sdelay $0x4  }
0x23: {  	v8 =	vmul.u32 $0x51, v8;
	_ =	sdelay $0x1  }
0x24: {  	v9 =	vld [tilespmem:$0x10];
	v8 =	vadd.s32 v1, v8  }
0x25: {  	v10 =	vld [tilespmem:$0x20];
	v11 =	vshll.u32 v8, $0x2  }
0x26: {  	v12 =	vld [tilespmem:$0x30];
	v13 =	vand.u32 $0x7, v8;
	v11 =	vand.u32 $0xFFFFFFE0, v11  }
0x27: {  	v11 =	vor.u32 v13, v11  }
0x28: {  	v13 =	vperm.xlane v11, v5  }
0x29: {  	v9 =	vmul.u32 $0x51, v9  }
0x2a: {  	v10 =	vmul.u32 $0x51, v10;
	v13 =	vadd.s32 v6, v13  }
0x2b: {  	v59 =	vmul.u32 $0x51, v12;
	[tilespmem:$0xA200] =	vst v8;
	v8 =	vadd.s32 v2, v9  }
0x2c: {  	[tilespmem:$0xA210] =	vst v8;
	v8 =	vadd.s32 v3, v10;
	v60 =	vperm.xlane v11, v7  }
0x2d: {  	[tilespmem:$0xA220] =	vst v8;
	v8 =	vadd.s32 v4, v59  }
0x2e: {  	[tilespmem:$0xA230] =	vst v8;
	v8 =	vadd.s32 v6, v60  }
0x2f: {  	[tilespmem:s11], [sflag:$0x2] =	stream.indirect_vreg.gather [hbm4b:s3+s2], $0x80, v13, vm0, $0xb8;
	[tilespmem:$0x1A300] =	vst v63  }
0x30: {  	s22 =	simm.s32 $0xAB00  }
0x31: {  	[tilespmem:s22], [sflag:$0x2] =	stream.indirect_vreg.gather [hbm4b:s5+s2], $0x80, v13, vm0, $0xb8;
	[tilespmem:$0x1A300] =	vst v63  }
0x32: {  	s23 =	simm.s32 $0xB300  }
0x33: {  	[tilespmem:s23], [sflag:$0x2] =	stream.indirect_vreg.gather [hbm4b:s3+s2], $0x80, v8, vm0, $0xb8;
	[tilespmem:$0x1A300] =	vst v63  }
0x34: {  	s24 =	simm.s32 $0xBB00  }
0x35: {  	[tilespmem:s24], [sflag:$0x2] =	stream.indirect_vreg.gather [hbm4b:s5+s2], $0x80, v8, vm0, $0xb8;
	[tilespmem:$0x1A300] =	vst v63  }
0x36: {  	v8 =	vld [tilespmem:$0xA210];
	_ =	sdelay $0x4  }
0x37: {  	v61 =	vshll.u32 v8, $0x2  }
0x38: {  	v8 =	vand.u32 $0x7, v8;
	v9 =	vand.u32 $0xFFFFFFE0, v61  }
0x39: {  	v8 =	vor.u32 v8, v9  }
0x3a: {  	v9 =	vperm.xlane v8, v5;
	_ =	sdelay $0x1  }
0x3b: {  	v9 =	vadd.s32 v6, v9;
	_ =	sdelay $0x1  }
0x3c: {  	v8 =	vperm.xlane v8, v7;
	_ =	sdelay $0x1  }
0x3d: {  	s25 =	simm.s32 $0xC300;
	v8 =	vadd.s32 v6, v8  }
0x3e: {  	[tilespmem:s25], [sflag:$0x2] =	stream.indirect_vreg.gather [hbm4b:s3+s2], $0x80, v9, vm0, $0xb8;
	[tilespmem:$0x1A300] =	vst v63  }
0x3f: {  	s21 =	simm.s32 $0xCB00  }
0x40: {  	[tilespmem:s21], [sflag:$0x2] =	stream.indirect_vreg.gather [hbm4b:s5+s2], $0x80, v9, vm0, $0xb8;
	[tilespmem:$0x1A300] =	vst v63  }
0x41: {  	s22 =	simm.s32 $0xD300  }
0x42: {  	[tilespmem:s22], [sflag:$0x2] =	stream.indirect_vreg.gather [hbm4b:s3+s2], $0x80, v8, vm0, $0xb8;
	[tilespmem:$0x1A300] =	vst v63  }
0x43: {  	s23 =	simm.s32 $0xDB00  }
0x44: {  	[tilespmem:s23], [sflag:$0x2] =	stream.indirect_vreg.gather [hbm4b:s5+s2], $0x80, v8, vm0, $0xb8;
	[tilespmem:$0x1A300] =	vst v63  }
0x45: {  	v8 =	vld [tilespmem:$0xA220];
	_ =	sdelay $0x4  }
0x46: {  	v62 =	vshll.u32 v8, $0x2  }
0x47: {  	v8 =	vand.u32 $0x7, v8;
	v9 =	vand.u32 $0xFFFFFFE0, v62  }
0x48: {  	v8 =	vor.u32 v8, v9  }
0x49: {  	v9 =	vperm.xlane v8, v5;
	_ =	sdelay $0x1  }
0x4a: {  	v9 =	vadd.s32 v6, v9;
	_ =	sdelay $0x1  }
0x4b: {  	v8 =	vperm.xlane v8, v7;
	_ =	sdelay $0x1  }
0x4c: {  	s24 =	simm.s32 $0xE300;
	v8 =	vadd.s32 v6, v8  }
0x4d: {  	[tilespmem:s24], [sflag:$0x2] =	stream.indirect_vreg.gather [hbm4b:s3+s2], $0x80, v9, vm0, $0xb8;
	[tilespmem:$0x1A300] =	vst v63  }
0x4e: {  	s25 =	simm.s32 $0xEB00  }
0x4f: {  	[tilespmem:s25], [sflag:$0x2] =	stream.indirect_vreg.gather [hbm4b:s5+s2], $0x80, v9, vm0, $0xb8;
	[tilespmem:$0x1A300] =	vst v63  }
0x50: {  	s21 =	simm.s32 $0xF300  }
0x51: {  	[tilespmem:s21], [sflag:$0x2] =	stream.indirect_vreg.gather [hbm4b:s3+s2], $0x80, v8, vm0, $0xb8;
	[tilespmem:$0x1A300] =	vst v63  }
0x52: {  	s22 =	simm.s32 $0xFB00  }
0x53: {  	[tilespmem:s22], [sflag:$0x2] =	stream.indirect_vreg.gather [hbm4b:s5+s2], $0x80, v8, vm0, $0xb8;
	[tilespmem:$0x1A300] =	vst v63  }
0x54: {  	v8 =	vld [tilespmem:$0xA230];
	_ =	sdelay $0x4  }
0x55: {  	v63 =	vshll.u32 v8, $0x2  }
0x56: {  	v8 =	vand.u32 $0x7, v8;
	v9 =	vand.u32 $0xFFFFFFE0, v63  }
0x57: {  	v8 =	vor.u32 v8, v9  }
0x58: {  	v9 =	vperm.xlane v8, v5;
	_ =	sdelay $0x1  }
0x59: {  	v9 =	vadd.s32 v6, v9;
	_ =	sdelay $0x2  }
0x5a: {  	v8 =	vperm.xlane v8, v7  }
0x5b: {  	s23 =	simm.s32 $0x10300  }
0x5c: {  	v8 =	vadd.s32 v6, v8;
	[tilespmem:s23], [sflag:$0x2] =	stream.indirect_vreg.gather [hbm4b:s3+s2], $0x80, v9, vm0, $0xb8;
	[tilespmem:$0x1A300] =	vst v63  }
0x5d: {  	s24 =	simm.s32 $0x10B00  }
0x5e: {  	[tilespmem:s24], [sflag:$0x2] =	stream.indirect_vreg.gather [hbm4b:s5+s2], $0x80, v9, vm0, $0xb8;
	[tilespmem:$0x1A300] =	vst v63  }
.Ltmp2:
0x5f: {  	_ = 	snop;
	(pc) =	sbr.rel .LBB2_2-.Ltmp2, $4  }
0x60: {  	s25 =	simm.s32 $0x11300;
	s21 =	rddreg [dreg:$0x6]  }
0x61: {  	[tilespmem:s25], [sflag:$0x2] =	stream.indirect_vreg.gather [hbm4b:s3+s2], $0x80, v8, vm0, $0xb8;
	[tilespmem:$0x1A300] =	vst v63  }
0x62: {  	s20 =	simm.s32 $0x60;
	s22 =	simm.s32 $0x0;
	s23 =	rddreg [dreg:$0x5]  }
0x63: {  	[tilespmem:s26], [sflag:$0x2] =	stream.indirect_vreg.gather [hbm4b:s5+s2], $0x80, v8, vm0, $0xb8;
	[tilespmem:$0x1A300] =	vst v63  }
.LBB2_4:
0x64: {  	s22 =	sadd.s32 $0x80, s22  }
0x65: {  	p0 =	sne.s32 s22, $0xA200  }
.Ltmp3:
0x66: {  	_ = 	snop;
	(pc) =	sbr.rel @!p0 .LBB2_5-.Ltmp3, $4  }
0x67: {  	[hbm4b:s21+s2] =	stream.linear.scatter [tilespmem:s29], [sflag:$0x4], $0x8000, $0x38;
	[tilespmem:$0x1A300] =	vst v63  }
0x68: {  	_ =	swait.ge [sflag:s18], $0x8000  }
0x69: {  	s23 =	sadd.s32 $0x2000, s23;
	[sflag:s18] =	ssyncset.done $0x0  }
0x6a: {  	s21 =	sadd.s32 $0x2000, s21;
	s20 =	sadd.s32 $0x80, s20;
	[sflag:s18] =	ssyncadd.s32 $0xFFFF8000  }
.LBB2_2:
0x6b: {  	_ =	swait.ge [sflag:s28], $0x8000  }
0x6c: {  	s24 =	sadd.s32 s22, s8;
	[sflag:s28] =	ssyncset.done $0x0  }
0x6d: {  	s25 =	sadd.s32 $0x40, s24;
	[sflag:s28] =	ssyncadd.s32 $0xFFFF8000  }
0x6e: {  	v9 =	vor.u32 s25, v0;
	v8 =	vld [tilespmem:s20+$0xFFFFFFE0]  }
0x6f: {  	v10 =	vmulhi.u32 $0xCA4587E7, v9;
	_ =	sdelay $0x1  }
0x70: {  	v10 =	vshrl.u32 v10, $0x6  }
0x71: {  	v10 =	vmul.u32 $0x51, v10  }
0x72: {  	v8 =	vmul.u32 $0x51, v8  }
0x73: {  	v9 =	vsub.s32 v9, v10  }
0x74: {  	v8 =	vadd.s32 v9, v8  }
0x75: {  	s25 =	sadd.s32 $0x50, s24;
	[tilespmem:$0xA280] =	vst v8  }
0x76: {  	v55 =	vor.u32 s25, v0;
	v54 =	vld [tilespmem:s20+$0xFFFFFFF0]  }
0x77: {  	v11 =	vmulhi.u32 $0xCA4587E7, v55;
	_ =	sdelay $0x1  }
0x78: {  	v11 =	vshrl.u32 v11, $0x6  }
0x79: {  	v11 =	vmul.u32 $0x51, v11  }
0x7a: {  	v9 =	vmul.u32 $0x51, v54  }
0x7b: {  	v10 =	vsub.s32 v55, v11  }
0x7c: {  	v9 =	vadd.s32 v10, v9  }
0x7d: {  	s25 =	sadd.s32 $0x60, s24;
	[tilespmem:$0xA290] =	vst v9  }
0x7e: {  	v56 =	vor.u32 s25, v0;
	v9 =	vld [tilespmem:s20+$0x0]  }
0x7f: {  	v57 =	vmulhi.u32 $0xCA4587E7, v56;
	_ =	sdelay $0x1  }
0x80: {  	v11 =	vshrl.u32 v57, $0x6  }
0x81: {  	v11 =	vmul.u32 $0x51, v11  }
0x82: {  	v9 =	vmul.u32 $0x51, v9  }
0x83: {  	v10 =	vsub.s32 v56, v11  }
0x84: {  	v9 =	vadd.s32 v10, v9  }
0x85: {  	s25 =	sadd.s32 $0x70, s24;
	v58 =	vshll.u32 v8, $0x2;
	[tilespmem:$0xA2A0] =	vst v9  }
0x86: {  	v59 =	vor.u32 s25, v0;
	v8 =	vand.u32 $0x7, v8;
	v9 =	vand.u32 $0xFFFFFFE0, v58;
	v60 =	vld [tilespmem:s20+$0x10]  }
0x87: {  	v12 =	vmulhi.u32 $0xCA4587E7, v59;
	v8 =	vor.u32 v8, v9  }
0x88: {  	v9 =	vperm.xlane v8, v5  }
0x89: {  	v12 =	vshrl.u32 v12, $0x6  }
0x8a: {  	v12 =	vmul.u32 $0x51, v12;
	v9 =	vadd.s32 v6, v9  }
0x8b: {  	v11 =	vmul.u32 $0x51, v60  }
0x8c: {  	v10 =	vsub.s32 v59, v12;
	v8 =	vperm.xlane v8, v7  }
0x8d: {  	v10 =	vadd.s32 v10, v11  }
0x8e: {  	v8 =	vadd.s32 v6, v8;
	[tilespmem:$0xA2B0] =	vst v10  }
0x8f: {  	[tilespmem:s29], [sflag:$0x3] =	stream.indirect_vreg.gather [hbm4b:s3+s2], $0x80, v9, vm0, $0xb8;
	[tilespmem:$0x1A300] =	vst v63  }
0x90: {  	_ = 	snop  }
0x91: {  	[tilespmem:s30], [sflag:$0x3] =	stream.indirect_vreg.gather [hbm4b:s5+s2], $0x80, v9, vm0, $0xb8;
	[tilespmem:$0x1A300] =	vst v63  }
0x92: {  	_ = 	snop  }
0x93: {  	[tilespmem:s31], [sflag:$0x3] =	stream.indirect_vreg.gather [hbm4b:s3+s2], $0x80, v8, vm0, $0xb8;
	[tilespmem:$0x1A300] =	vst v63  }
0x94: {  	_ = 	snop  }
0x95: {  	[tilespmem:s1], [sflag:$0x3] =	stream.indirect_vreg.gather [hbm4b:s5+s2], $0x80, v8, vm0, $0xb8;
	[tilespmem:$0x1A300] =	vst v63  }
0x96: {  	v8 =	vld [tilespmem:$0xA290];
	_ =	sdelay $0x4  }
0x97: {  	v61 =	vshll.u32 v8, $0x2  }
0x98: {  	v8 =	vand.u32 $0x7, v8;
	v9 =	vand.u32 $0xFFFFFFE0, v61  }
0x99: {  	v8 =	vor.u32 v8, v9  }
0x9a: {  	v9 =	vperm.xlane v8, v5;
	_ =	sdelay $0x1  }
0x9b: {  	v9 =	vadd.s32 v6, v9;
	_ =	sdelay $0x1  }
0x9c: {  	v8 =	vperm.xlane v8, v7;
	_ =	sdelay $0x1  }
0x9d: {  	v8 =	vadd.s32 v6, v8  }
0x9e: {  	[tilespmem:s0], [sflag:$0x3] =	stream.indirect_vreg.gather [hbm4b:s3+s2], $0x80, v9, vm0, $0xb8;
	[tilespmem:$0x1A300] =	vst v63  }
0x9f: {  	_ = 	snop  }
0xa0: {  	[tilespmem:s4], [sflag:$0x3] =	stream.indirect_vreg.gather [hbm4b:s5+s2], $0x80, v9, vm0, $0xb8;
	[tilespmem:$0x1A300] =	vst v63  }
0xa1: {  	_ = 	snop  }
0xa2: {  	[tilespmem:s6], [sflag:$0x3] =	stream.indirect_vreg.gather [hbm4b:s3+s2], $0x80, v8, vm0, $0xb8;
	[tilespmem:$0x1A300] =	vst v63  }
0xa3: {  	_ = 	snop  }
0xa4: {  	[tilespmem:s7], [sflag:$0x3] =	stream.indirect_vreg.gather [hbm4b:s5+s2], $0x80, v8, vm0, $0xb8;
	[tilespmem:$0x1A300] =	vst v63  }
0xa5: {  	v8 =	vld [tilespmem:$0xA2A0];
	_ =	sdelay $0x4  }
0xa6: {  	v62 =	vshll.u32 v8, $0x2  }
0xa7: {  	v8 =	vand.u32 $0x7, v8;
	v9 =	vand.u32 $0xFFFFFFE0, v62  }
0xa8: {  	v8 =	vor.u32 v8, v9  }
0xa9: {  	v9 =	vperm.xlane v8, v5;
	_ =	sdelay $0x1  }
0xaa: {  	v9 =	vadd.s32 v6, v9;
	_ =	sdelay $0x1  }
0xab: {  	v8 =	vperm.xlane v8, v7;
	_ =	sdelay $0x1  }
0xac: {  	v8 =	vadd.s32 v6, v8  }
0xad: {  	[tilespmem:s9], [sflag:$0x3] =	stream.indirect_vreg.gather [hbm4b:s3+s2], $0x80, v9, vm0, $0xb8;
	[tilespmem:$0x1A300] =	vst v63  }
0xae: {  	_ = 	snop  }
0xaf: {  	[tilespmem:s10], [sflag:$0x3] =	stream.indirect_vreg.gather [hbm4b:s5+s2], $0x80, v9, vm0, $0xb8;
	[tilespmem:$0x1A300] =	vst v63  }
0xb0: {  	_ = 	snop  }
0xb1: {  	[tilespmem:s12], [sflag:$0x3] =	stream.indirect_vreg.gather [hbm4b:s3+s2], $0x80, v8, vm0, $0xb8;
	[tilespmem:$0x1A300] =	vst v63  }
0xb2: {  	_ = 	snop  }
0xb3: {  	[tilespmem:s13], [sflag:$0x3] =	stream.indirect_vreg.gather [hbm4b:s5+s2], $0x80, v8, vm0, $0xb8;
	[tilespmem:$0x1A300] =	vst v63  }
0xb4: {  	v8 =	vld [tilespmem:$0xA2B0];
	_ =	sdelay $0x4  }
0xb5: {  	v63 =	vshll.u32 v8, $0x2  }
0xb6: {  	v8 =	vand.u32 $0x7, v8;
	v9 =	vand.u32 $0xFFFFFFE0, v63  }
0xb7: {  	v8 =	vor.u32 v8, v9  }
0xb8: {  	v9 =	vperm.xlane v8, v5;
	_ =	sdelay $0x1  }
0xb9: {  	v9 =	vadd.s32 v6, v9;
	_ =	sdelay $0x1  }
0xba: {  	v8 =	vperm.xlane v8, v7;
	_ =	sdelay $0x1  }
0xbb: {  	v8 =	vadd.s32 v6, v8  }
0xbc: {  	[tilespmem:s14], [sflag:$0x3] =	stream.indirect_vreg.gather [hbm4b:s3+s2], $0x80, v9, vm0, $0xb8;
	[tilespmem:$0x1A300] =	vst v63  }
0xbd: {  	_ = 	snop  }
0xbe: {  	[tilespmem:s15], [sflag:$0x3] =	stream.indirect_vreg.gather [hbm4b:s5+s2], $0x80, v9, vm0, $0xb8;
	[tilespmem:$0x1A300] =	vst v63  }
0xbf: {  	_ = 	snop  }
0xc0: {  	[tilespmem:s16], [sflag:$0x3] =	stream.indirect_vreg.gather [hbm4b:s3+s2], $0x80, v8, vm0, $0xb8;
	[tilespmem:$0x1A300] =	vst v63  }
0xc1: {  	_ = 	snop  }
0xc2: {  	[tilespmem:s17], [sflag:$0x3] =	stream.indirect_vreg.gather [hbm4b:s5+s2], $0x80, v8, vm0, $0xb8;
	[tilespmem:$0x1A300] =	vst v63  }
0xc3: {  	_ = 	snop  }
0xc4: {  	[hbm4b:s23+s2] =	stream.linear.scatter [tilespmem:s11], [sflag:$0x4], $0x8000, $0x38;
	[tilespmem:$0x1A300] =	vst v63  }
0xc5: {  	p0 =	seq.s32 s22, $0xA180;
	_ =	swait.ge [sflag:s18], $0x8000  }
.Ltmp4:
0xc6: {  	[sflag:s18] =	ssyncset.done $0x0;
	(pc) =	sbr.rel @p0 .LBB2_4-.Ltmp4, $4  }
0xc7: {  	[sflag:s18] =	ssyncadd.s32 $0xFFFF8000  }
0xc8: {  	_ =	swait.ge [sflag:s19], $0x8000  }
0xc9: {  	[sflag:s19] =	ssyncset.done $0x0  }
0xca: {  	[sflag:s19] =	ssyncadd.s32 $0xFFFF8000  }
0xcb: {  	s25 =	sadd.s32 $0x80, s24  }
0xcc: {  	v8 =	vld [tilespmem:s20+$0x20];
	v9 =	vor.u32 s25, v0  }
0xcd: {  	v10 =	vmulhi.u32 $0xCA4587E7, v9;
	_ =	sdelay $0x1  }
0xce: {  	v10 =	vshrl.u32 v10, $0x6  }
0xcf: {  	v10 =	vmul.u32 $0x51, v10  }
0xd0: {  	v8 =	vmul.u32 $0x51, v8  }
0xd1: {  	v9 =	vsub.s32 v9, v10  }
0xd2: {  	v8 =	vadd.s32 v9, v8  }
0xd3: {  	s25 =	sadd.s32 $0x90, s24;
	[tilespmem:$0xA200] =	vst v8  }
0xd4: {  	v55 =	vor.u32 s25, v0;
	v54 =	vld [tilespmem:s20+$0x30]  }
0xd5: {  	v11 =	vmulhi.u32 $0xCA4587E7, v55;
	_ =	sdelay $0x1  }
0xd6: {  	v11 =	vshrl.u32 v11, $0x6  }
0xd7: {  	v11 =	vmul.u32 $0x51, v11  }
0xd8: {  	v9 =	vmul.u32 $0x51, v54  }
0xd9: {  	v10 =	vsub.s32 v55, v11  }
0xda: {  	v9 =	vadd.s32 v10, v9  }
0xdb: {  	s25 =	sadd.s32 $0xA0, s24;
	[tilespmem:$0xA210] =	vst v9  }
0xdc: {  	v56 =	vor.u32 s25, v0;
	v9 =	vld [tilespmem:s20+$0x40]  }
0xdd: {  	v57 =	vmulhi.u32 $0xCA4587E7, v56;
	_ =	sdelay $0x1  }
0xde: {  	v11 =	vshrl.u32 v57, $0x6  }
0xdf: {  	v11 =	vmul.u32 $0x51, v11  }
0xe0: {  	v9 =	vmul.u32 $0x51, v9  }
0xe1: {  	v10 =	vsub.s32 v56, v11  }
0xe2: {  	v9 =	vadd.s32 v10, v9  }
0xe3: {  	s25 =	sadd.s32 $0xB0, s24;
	v58 =	vshll.u32 v8, $0x2;
	[tilespmem:$0xA220] =	vst v9  }
0xe4: {  	v60 =	vor.u32 s25, v0;
	v8 =	vand.u32 $0x7, v8;
	v9 =	vand.u32 $0xFFFFFFE0, v58;
	v59 =	vld [tilespmem:s20+$0x50]  }
0xe5: {  	v12 =	vmulhi.u32 $0xCA4587E7, v60;
	v8 =	vor.u32 v8, v9  }
0xe6: {  	v9 =	vperm.xlane v8, v5  }
0xe7: {  	v12 =	vshrl.u32 v12, $0x6  }
0xe8: {  	v12 =	vmul.u32 $0x51, v12;
	v9 =	vadd.s32 v6, v9  }
0xe9: {  	v10 =	vmul.u32 $0x51, v59  }
0xea: {  	v11 =	vsub.s32 v60, v12;
	v8 =	vperm.xlane v8, v7  }
0xeb: {  	v10 =	vadd.s32 v11, v10  }
0xec: {  	v8 =	vadd.s32 v6, v8;
	[tilespmem:$0xA230] =	vst v10  }
0xed: {  	[tilespmem:s11], [sflag:$0x2] =	stream.indirect_vreg.gather [hbm4b:s3+s2], $0x80, v9, vm0, $0xb8;
	[tilespmem:$0x1A300] =	vst v63  }
0xee: {  	s25 =	simm.s32 $0xAB00  }
0xef: {  	[tilespmem:s25], [sflag:$0x2] =	stream.indirect_vreg.gather [hbm4b:s5+s2], $0x80, v9, vm0, $0xb8;
	[tilespmem:$0x1A300] =	vst v63  }
0xf0: {  	s25 =	simm.s32 $0xB300  }
0xf1: {  	[tilespmem:s25], [sflag:$0x2] =	stream.indirect_vreg.gather [hbm4b:s3+s2], $0x80, v8, vm0, $0xb8;
	[tilespmem:$0x1A300] =	vst v63  }
0xf2: {  	s25 =	simm.s32 $0xBB00  }
0xf3: {  	[tilespmem:s25], [sflag:$0x2] =	stream.indirect_vreg.gather [hbm4b:s5+s2], $0x80, v8, vm0, $0xb8;
	[tilespmem:$0x1A300] =	vst v63  }
0xf4: {  	v8 =	vld [tilespmem:$0xA210];
	_ =	sdelay $0x4  }
0xf5: {  	v61 =	vshll.u32 v8, $0x2  }
0xf6: {  	v8 =	vand.u32 $0x7, v8;
	v9 =	vand.u32 $0xFFFFFFE0, v61  }
0xf7: {  	v8 =	vor.u32 v8, v9  }
0xf8: {  	v9 =	vperm.xlane v8, v5;
	_ =	sdelay $0x1  }
0xf9: {  	v9 =	vadd.s32 v6, v9;
	_ =	sdelay $0x1  }
0xfa: {  	v8 =	vperm.xlane v8, v7;
	_ =	sdelay $0x1  }
0xfb: {  	s25 =	simm.s32 $0xC300;
	v8 =	vadd.s32 v6, v8  }
0xfc: {  	[tilespmem:s25], [sflag:$0x2] =	stream.indirect_vreg.gather [hbm4b:s3+s2], $0x80, v9, vm0, $0xb8;
	[tilespmem:$0x1A300] =	vst v63  }
0xfd: {  	s25 =	simm.s32 $0xCB00  }
0xfe: {  	[tilespmem:s25], [sflag:$0x2] =	stream.indirect_vreg.gather [hbm4b:s5+s2], $0x80, v9, vm0, $0xb8;
	[tilespmem:$0x1A300] =	vst v63  }
0xff: {  	s25 =	simm.s32 $0xD300  }
0x100: {  	[tilespmem:s25], [sflag:$0x2] =	stream.indirect_vreg.gather [hbm4b:s3+s2], $0x80, v8, vm0, $0xb8;
	[tilespmem:$0x1A300] =	vst v63  }
0x101: {  	s25 =	simm.s32 $0xDB00  }
0x102: {  	[tilespmem:s25], [sflag:$0x2] =	stream.indirect_vreg.gather [hbm4b:s5+s2], $0x80, v8, vm0, $0xb8;
	[tilespmem:$0x1A300] =	vst v63  }
0x103: {  	v8 =	vld [tilespmem:$0xA220];
	_ =	sdelay $0x4  }
0x104: {  	v62 =	vshll.u32 v8, $0x2  }
0x105: {  	v8 =	vand.u32 $0x7, v8;
	v9 =	vand.u32 $0xFFFFFFE0, v62  }
0x106: {  	v8 =	vor.u32 v8, v9  }
0x107: {  	v9 =	vperm.xlane v8, v5;
	_ =	sdelay $0x1  }
0x108: {  	v9 =	vadd.s32 v6, v9;
	_ =	sdelay $0x1  }
0x109: {  	v8 =	vperm.xlane v8, v7;
	_ =	sdelay $0x1  }
0x10a: {  	s25 =	simm.s32 $0xE300;
	v8 =	vadd.s32 v6, v8  }
0x10b: {  	[tilespmem:s25], [sflag:$0x2] =	stream.indirect_vreg.gather [hbm4b:s3+s2], $0x80, v9, vm0, $0xb8;
	[tilespmem:$0x1A300] =	vst v63  }
0x10c: {  	s25 =	simm.s32 $0xEB00  }
0x10d: {  	[tilespmem:s25], [sflag:$0x2] =	stream.indirect_vreg.gather [hbm4b:s5+s2], $0x80, v9, vm0, $0xb8;
	[tilespmem:$0x1A300] =	vst v63  }
0x10e: {  	s25 =	simm.s32 $0xF300  }
0x10f: {  	[tilespmem:s25], [sflag:$0x2] =	stream.indirect_vreg.gather [hbm4b:s3+s2], $0x80, v8, vm0, $0xb8;
	[tilespmem:$0x1A300] =	vst v63  }
0x110: {  	s25 =	simm.s32 $0xFB00  }
0x111: {  	[tilespmem:s25], [sflag:$0x2] =	stream.indirect_vreg.gather [hbm4b:s5+s2], $0x80, v8, vm0, $0xb8;
	[tilespmem:$0x1A300] =	vst v63  }
0x112: {  	v8 =	vld [tilespmem:$0xA230];
	_ =	sdelay $0x4  }
0x113: {  	v63 =	vshll.u32 v8, $0x2  }
0x114: {  	v8 =	vand.u32 $0x7, v8;
	v9 =	vand.u32 $0xFFFFFFE0, v63  }
0x115: {  	v8 =	vor.u32 v8, v9  }
0x116: {  	v9 =	vperm.xlane v8, v5;
	_ =	sdelay $0x1  }
0x117: {  	v9 =	vadd.s32 v6, v9;
	_ =	sdelay $0x2  }
0x118: {  	v8 =	vperm.xlane v8, v7  }
0x119: {  	s25 =	simm.s32 $0x10300  }
0x11a: {  	v8 =	vadd.s32 v6, v8;
	[tilespmem:s25], [sflag:$0x2] =	stream.indirect_vreg.gather [hbm4b:s3+s2], $0x80, v9, vm0, $0xb8;
	[tilespmem:$0x1A300] =	vst v63  }
0x11b: {  	s25 =	simm.s32 $0x10B00  }
0x11c: {  	[tilespmem:s25], [sflag:$0x2] =	stream.indirect_vreg.gather [hbm4b:s5+s2], $0x80, v9, vm0, $0xb8;
	[tilespmem:$0x1A300] =	vst v63  }
.Ltmp5:
0x11d: {  	_ = 	snop;
	(pc) =	sbr.rel .LBB2_4-.Ltmp5, $4  }
0x11e: {  	s25 =	simm.s32 $0x11300  }
0x11f: {  	[tilespmem:s25], [sflag:$0x2] =	stream.indirect_vreg.gather [hbm4b:s3+s2], $0x80, v8, vm0, $0xb8;
	[tilespmem:$0x1A300] =	vst v63  }
0x120: {  	_ = 	snop  }
0x121: {  	[tilespmem:s26], [sflag:$0x2] =	stream.indirect_vreg.gather [hbm4b:s5+s2], $0x80, v8, vm0, $0xb8;
	[tilespmem:$0x1A300] =	vst v63  }
.LBB2_6:
0x122: {  	_ =	sfence.sel $0x180000  }
0x123: {  	[bflag:$0x0] =	sbarrier.arrive $0xFFFF  }
0x124: {  	_ =	strace $0x90000047  }
0x125: {  	s0 =	stileid.u32;
	[bflag:$0x2] =	sbarrier.arrive $0xFFFF  }
0x126: {  	p0 =	sne.s32 s0, $0x0;
	s0 =	rddreg [dreg:$0x2]  }
0x127: {  	s0 =	sadd.s32 @!p0 $0x100000, s0  }
0x128: {  	[sflag:s0] =	ssyncadd.tile.s32 @!p0 $0x1;
	_ =	shalt  }
.Lfunc_end2:
_tile_overlayer_lowered:
.L_overlay_start_2:
0x129: {  	(tag) =	ssettag $0x2  }
0x12a: {  	s0 =	rddreg [dreg:$0x0];
	s2 =	stileid.u32  }
0x12b: {  	s1 =	rddreg [dreg:$0x1];
	p0 =	sne.s32 s2, $0x0  }
0x12c: {  	s3 =	rddreg [dreg:$0x2];
	[bflag:$0x3] =	sbarrier.arrive $0xFFFF;
	s2 =	simm.s32 @!p0 $0x1C04  }
0x12d: {  	[timem:s3], [sflag:s2] =	dma.local @!p0 [hbm:s0], s1  }
0x12e: {  	s0 =	simm.s32 @!p0 $0x4  }
0x12f: {  	_ =	swait.ge @!p0 [sflag:s0], s1  }
0x130: {  	s1 =	ssub.s32 @!p0 $0x0, s1;
	[sflag:s0] =	ssyncset.done @!p0 $0x0  }
0x131: {  	[sflag:s0] =	ssyncadd.s32 @!p0 s1  }
0x132: {  	[bflag:$0x3] =	sbarrier.arrive $0xFFFF  }
0x133: {  	_ =	shalt  }

// kernel: sparse-core-data-format-call.cloned.1.call-start
scs
called_computation_lowered:
.L_overlay_start_0:
0x0: {  	s2 =	sld [smem:$0x3FD9]  }
0x1: {  	s3 =	sld [smem:$0x3FFE];
	_ =	sdelay $0x1  }
0x2: {  	s1 =	srdreg.scid  }
0x3: {  	s0 =	sand.u32 $0x1, s1  }
0x4: {  	s18 =	sshll.u32 s0, $0xA;
	s2 =	sadd.s32 s3, s2  }
0x5: {  	s2 =	sadd.s32 s2, s18  }
0x6: {  	[smem:$0x3FC5] =	sst s2  }
0x7: {  	_ = 	snop  }
0x8: {  	s2 =	sld [smem:$0x3FD0];
	(tm) =	ssettm $0x1  }
0x9: {  	s19 =	sld [smem:$0x3FFB];
	_ =	sdelay $0x3  }
0xa: {  	_ =	strace s19  }
0xb: {  	s3 =	sld [smem:$0x3FFC];
	_ =	sdelay $0x3  }
0xc: {  	_ =	strace s3  }
0xd: {  	s3 =	sld [smem:$0x3FFD];
	_ =	sdelay $0x3  }
0xe: {  	_ =	strace s3  }
0xf: {  	_ =	strace $0x8FFFFFFF  }
0x10: {  	s20 =	sld [smem:$0x3FDB];
	_ =	sdelay $0x1  }
0x11: {  	s4 =	simm.s32 $_scs_section_size  }
0x12: {  	s5 =	simm.s32 $_size__tile_overlayer_lowered;
	s6 =	simm.s32 $_tile_overlayer_lowered  }
0x13: {  	s23 =	simm.s32 $0x1BFF;
	s22 =	sshll.u32 s6, $0x1;
	s3 =	sadd.s32 s4, s20  }
0x14: {  	s7 =	simm.s32 $0x0;
	s21 =	sshll.u32 s5, $0x1;
	s5 =	sadd.s32 s22, s3  }
0x15: {  	[timem:s7], [sflag:s23] =	dma.local [hbm:s5], s21  }
0x16: {  	_ =	swait.ge [sflag:s23], s21  }
0x17: {  	s4 =	ssub.s32 $0x0, s21;
	[sflag:s23] =	ssyncset.done $0x0  }
0x18: {  	[sflag:s23] =	ssyncadd.s32 s4;
	_ =	sdelay $0x1  }
0x19: {  	s24 =	simm.s32 $0x1B8B  }
0x1a: {  	_ =	swait.ge [sflag:s24], $0x1  }
0x1b: {  	[sflag:s24] =	ssyncset.done $0x0  }
0x1c: {  	s26 =	simm.s32 $0x1B8E;
	s25 =	sld [smem:$0x3FFE];
	[sflag:s24] =	ssyncadd.s32 $0xFFFFFFFF  }
0x1d: {  	s27 =	simm.s32 $execute0_lowered;
	[smem:$0x3FD2] =	sst s26  }
0x1e: {  	s5 =	sshll.u32 s27, $0x1;
	_ =	strace $0x80000049;
	[dreg:$0x1] =	wrdreg $0xFFFFFFFF  }
0x1f: {  	s28 =	simm.s32 $_size_execute0_lowered;
	s3 =	sadd.s32 s3, s5;
	[dreg:$0x0] =	wrdreg $0x0  }
0x20: {  	s5 =	sshll.u32 s28, $0x1;
	[dreg:$0x2] =	wrdreg s3  }
0x21: {  	[dreg:$0x3] =	wrdreg s5  }
0x22: {  	[dreg:$0x4] =	wrdreg $0xC0  }
0x23: {  	_ =	task [dreg:s7], $0x5FFFF  }
0x24: {  	[dreg:$0x1] =	wrdreg $0xFFFFFFFF  }
0x25: {  	[dreg:$0x0] =	wrdreg $0x60  }
0x26: {  	[dreg:$0x2] =	wrdreg s25  }
0x27: {  	[dreg:$0x3] =	wrdreg s2  }
0x28: {  	[dreg:$0x4] =	wrdreg $0x9  }
0x29: {  	_ =	task.clear_ibuf [dreg:s7], $0x5FFFF;
	_ =	strace $0x90000049  }
0x2a: {  	s29 =	simm.s32 $0x9;
	_ =	strace $0x8000004B  }
0x2b: {  	_ =	swait.ge [sflag:s29], $0x1  }
0x2c: {  	[sflag:s29] =	ssyncadd.s32 $0xFFFFFFFF  }
0x2d: {  	_ =	strace $0x9000004B  }
0x2e: {  	_ =	sfence  }
0x2f: {  	s30 =	sld [smem:$0x0];
	_ =	sdelay $0x2  }
0x30: {  	s31 =	sshll.u32 s1, $0xD;
	s1 =	sshrl.u32 s1, $0x2  }
0x31: {  	s3 =	sand.u32 $0x4000, s31;
	s1 =	sadd.s32 s1, s30  }
0x32: {  	s0 =	sor.u32 s3, s0;
	s1 =	sshll.u32 s1, $0x11  }
0x33: {  	s0 =	sor.u32 s1, s0  }
0x34: {  	s0 =	sadd.s32 $0x8F2B, s0  }
0x35: {  	[sflag:s0] =	ssyncadd.remote.s32 $0x1  }
0x36: {  	_ =	sfence.sel $0xFFFF  }
0x37: {  	[dreg:$0x0] =	wrdreg $0xFFFFFFFF;
	(pc) =	sbr.abs _section_cstart, $3  }
0x38: {  	[dreg:$0x1] =	wrdreg $0xFFFFFFFF  }
0x39: {  	_ =	task.clear_ibuf [dreg:s7], $0x2FFFF;
	_ =	strace $0x9FFFFFFF  }
0x3a: {  	(tm) =	ssettm $0x7FFFFFFF  }
0x3b: {  	_ =	shalt  }
tec
execute0_lowered:
.L_overlay_start_1:
0x0: {  	(tag) =	ssettag $0x1  }
0x1: {  	s0 =	srdreg.scid  }
0x2: {  	s1 =	sshll.u32 s0, $0x4  }
0x3: {  	s6 =	rddreg [dreg:$0x0];
	s0 =	stileid.u32;
	s1 =	sand.u32 $0x10, s1  }
0x4: {  	s3 =	rddreg [dreg:$0x1];
	s1 =	sor.u32 s0, s1  }
0x5: {  	s5 =	simm.s32 $0x1;
	s31 =	simm.s32 $0x2;
	s2 =	sshll.u32 s1, $0x7  }
0x6: {  	s14 =	simm.s32 $0x0;
	s8 =	simm.s32 $0x1000;
	s4 =	ssub.s32 $0x4000, s2  }
0x7: {  	s9 =	simm.s32 $0x0;
	s15 =	simm.s32 $0x0;
	s30 =	sand.u32 $0xF80, s4  }
0x8: {  	s16 =	simm.s32 $0x0;
	s10 =	simm.s32 $0x0;
	p0 =	sne.s32 s30, $0x0  }
.Ltmp0:
0x9: {  	s7 =	sshrl.u32 s4, $0xC;
	s5 =	simm.s32 @!p0 $0x0;
	(pc) =	sbr.rel .LBB1_1-.Ltmp0, $4  }
0xa: {  	s11 =	simm.s32 $0x0;
	s1 =	rddreg [dreg:$0x2];
	s5 =	sadd.s32 s5, s7  }
0xb: {  	_ =	strace $0x8000004A;
	s4 =	simm.s32 $0x1;
	s5 =	smul.u32 $0x144, s5  }
0xc: {  	s13 =	simm.s32 $0x0;
	s6 =	sadd.s32 $0xC00, s6;
	[sflag:s4] =	ssyncpa.u1 $0x0  }
0xd: {  	s12 =	smov.u32 s2;
	[sflag:s31] =	ssyncpa.u1 $0x0;
	s7 =	sor.u32 $0x1, s5  }
.LBB1_4:
0xe: {  	_ =	sdelay $0x3  }
0xf: {  	[tilespmem:v0+s19+$0xFFFFFFD0 ss:$0x1] =	vst.idx.msk $0xffff, v6  }
0x10: {  	v56 =	vld.idx.msk [tilespmem:v1+s18+$0x0 ss:$0x1], $0xffff;
	[tilespmem:v0+s19+$0xFFFFFFE0 ss:$0x1] =	vst.idx.msk $0xffff, v4  }
0x11: {  	v57 =	vld.idx.msk [tilespmem:v1+s18+$0xFFFFFF90 ss:$0x1], $0xffff;
	[tilespmem:v0+s19+$0xFFFFFFF0 ss:$0x1] =	vst.idx.msk $0xffff, v2  }
0x12: {  	v58 =	vld.idx.msk [tilespmem:v1+s18+$0xFFFFFFA0 ss:$0x1], $0xffff;
	[tilespmem:v0+s19+$0x0 ss:$0x1] =	vst.idx.msk $0xffff, v3  }
0x13: {  	v59 =	vld.idx.msk [tilespmem:v1+s18+$0xFFFFFFB0 ss:$0x1], $0xffff;
	[tilespmem:v0+s19+$0x10 ss:$0x1] =	vst.idx.msk $0xffff, v5  }
0x14: {  	v60 =	vld.idx.msk [tilespmem:v1+s18+$0xFFFFFFC0 ss:$0x1], $0xffff;
	[tilespmem:v0+s19+$0x20 ss:$0x1] =	vst.idx.msk $0xffff, v7  }
0x15: {  	v61 =	vld.idx.msk [tilespmem:v1+s18+$0xFFFFFFD0 ss:$0x1], $0xffff;
	s27 =	sshll.u32 s16, $0x9;
	[tilespmem:v0+s18+$0x30 ss:$0x1] =	vst.idx.msk $0xffff, v56  }
0x16: {  	s20 =	sshll.u32 s14, $0x3;
	v62 =	vld.idx.msk [tilespmem:v1+s18+$0xFFFFFFE0 ss:$0x1], $0xffff;
	s28 =	sshll.u32 s16, $0x7;
	s30 =	sand.u32 $0x78, s14;
	[tilespmem:v0+s18+$0xFFFFFFC0 ss:$0x1] =	vst.idx.msk $0xffff, v57  }
0x17: {  	v63 =	vld.idx.msk [tilespmem:v1+s18+$0xFFFFFFF0 ss:$0x1], $0xffff;
	s15 =	sshll.u32 s15, $0x14;
	s19 =	sand.u32 $0x7FF000, s27;
	s20 =	sand.u32 $0x7FFC00, s20;
	[tilespmem:v0+s18+$0xFFFFFFD0 ss:$0x1] =	vst.idx.msk $0xffff, v58  }
0x18: {  	s29 =	sand.u32 $0x200, s28;
	s16 =	sand.u32 $0x180, s28;
	s19 =	sadd.s32 s19, s20;
	[tilespmem:v0+s18+$0xFFFFFFE0 ss:$0x1] =	vst.idx.msk $0xffff, v59  }
0x19: {  	s31 =	sand.u32 $0x7, s14;
	s16 =	sor.u32 s16, s30;
	s19 =	sor.u32 s29, s19;
	[tilespmem:v0+s18+$0xFFFFFFF0 ss:$0x1] =	vst.idx.msk $0xffff, v60  }
0x1a: {  	s15 =	sadd.s32 s3, s15;
	s16 =	sshrl.u32 s16, $0x3;
	s19 =	sshrl.u32 s19, $0x3;
	[tilespmem:v0+s18+$0x0 ss:$0x1] =	vst.idx.msk $0xffff, v61  }
0x1b: {  	s14 =	sshll.u32 s31, $0x12;
	s15 =	sadd.s32 s16, s15;
	[tilespmem:v0+s18+$0x10 ss:$0x1] =	vst.idx.msk $0xffff, v62;
	s19 =	sand.u32 $0xFFFC0, s19  }
0x1c: {  	s14 =	sor.u32 $0x400, s14;
	[tilespmem:v0+s18+$0x20 ss:$0x1] =	vst.idx.msk $0xffff, v63;
	s15 =	sadd.s32 s19, s15  }
0x1d: {  	[hbm4b:s15+s14] =	stream.strided.scatter [tilespmem:s17], [sflag:$0x2], $0x4000, s8, s14, $0x38;
	[tilespmem:$0x10000] =	vst v63  }
.LBB1_5:
0x1e: {  	s17 =	sadd.s32 $0x80, s10  }
0x1f: {  	s14 =	simm.s32 $0x1;
	p1 =	sgt.s32 s17, $0x1FF  }
0x20: {  	s14 =	simm.s32 @!p1 $0x0  }
0x21: {  	s18 =	sadd.s32 s14, s11  }
0x22: {  	s20 =	smov.u32 s12;
	s14 =	sadd.s32 $0x1000, s12;
	p2 =	sgt.s32 s18, $0x50  }
0x23: {  	s20 =	smov.u32 @p2 s14  }
0x24: {  	p0 =	slt.u32 s13, $0x2;
	s17 =	simm.s32 @p1 $0x0;
	p1 =	sgt.s32 s20, $0x3FFF  }
0x25: {  	s19 =	simm.s32 @!p0 $0x2;
	s20 =	smov.u32 @p1 s2;
	p1 =	sne.s32 s13, s7  }
.Ltmp1:
0x26: {  	_ =	swait.ge @!p0 [sflag:s19], $0x4000;
	(pc) =	sbr.rel @!p1 .LBB1_6-.Ltmp1, $4  }
0x27: {  	s15 =	smov.u32 s11;
	[sflag:s19] =	ssyncset.done @!p0 $0x0  }
0x28: {  	s16 =	smov.u32 s12;
	s9 =	sadd.s32 $0x4000, s9;
	[sflag:s19] =	ssyncadd.s32 @!p0 $0xFFFFC000  }
0x29: {  	s18 =	simm.s32 @p2 $0x0;
	s14 =	smov.u32 s10;
	s10 =	smov.u32 s17  }
0x2a: {  	s11 =	smov.u32 s18;
	s13 =	sadd.s32 $0x1, s13;
	s12 =	smov.u32 s20  }
.LBB1_1:
0x2b: {  	p0 =	sge.u32 s13, s5  }
0x2c: {  	s17 =	sshll.u32 @!p0 s11, $0x9;
	s18 =	sshll.u32 @!p0 s10, $0x3  }
0x2d: {  	s19 =	sshll.u32 @!p0 s11, $0x7;
	s17 =	sand.u32 @!p0 $0xFFFFF000, s17;
	s18 =	sand.u32 @!p0 $0xFFFFFC00, s18  }
0x2e: {  	s17 =	sadd.s32 @!p0 s17, s18;
	s18 =	sand.u32 @!p0 $0x200, s19  }
0x2f: {  	s17 =	sor.u32 @!p0 s18, s17  }
0x30: {  	s17 =	sshrl.u32 @!p0 s17, $0x9  }
0x31: {  	s31 =	sadd.s32 $0xFFFFFFFF, s13;
	s18 =	smulhi.u32 @!p0 $0x2E8BA2F, s17  }
0x32: {  	s20 =	sxor.u32 @!p0 $0xFFFFFFFF, s13;
	s21 =	sand.u32 @!p0 $0x78, s10;
	s22 =	smul.u32 @!p0 $0x1600, s12  }
0x33: {  	s20 =	sshll.u32 @!p0 s20, $0xE;
	s19 =	sand.u32 @!p0 $0x180, s19;
	s18 =	smul.u32 @!p0 $0x58, s18  }
0x34: {  	s20 =	sand.u32 @!p0 $0x4000, s20;
	s19 =	sor.u32 @!p0 s21, s19;
	s21 =	sand.u32 @!p0 $0x7, s10  }
0x35: {  	s17 =	ssub.s32 @!p0 s17, s18;
	s18 =	sshrl.u32 @!p0 s19, $0x3;
	s19 =	sadd.s32 @!p0 s6, s22  }
0x36: {  	s17 =	sshll.u32 @!p0 s17, $0x6;
	s18 =	sadd.s32 @!p0 s18, s19;
	s19 =	sshll.u32 @!p0 s21, $0x12  }
0x37: {  	s17 =	sadd.s32 @!p0 s17, s18;
	s18 =	sor.u32 @!p0 $0x80, s19;
	s19 =	simm.s32 @!p0 $0xB000  }
0x38: {  	[tilespmem:s20], [sflag:$0x1] =	stream.strided.gather @!p0 [hbm4b:s17+s18], $0x4000, s19, s18, $0x38;
	[tilespmem:$0x10000] =	vst v63  }
0x39: {  	p0 =	sge.u32 s31, s5  }
.Ltmp2:
0x3a: {  	_ = 	snop;
	(pc) =	sbr.rel @p0 .LBB1_5-.Ltmp2, $1  }
0x3b: {  	_ =	sdelay $0x3  }
0x3c: {  	s17 =	sand.u32 $0x4000, s9  }
0x3d: {  	s18 =	sor.u32 $0x70, s17  }
0x3e: {  	v1 =	vmov s18;
	_ =	sdelay $0x1  }
0x3f: {  	_ =	swait.ge [sflag:s4], $0x4000  }
0x40: {  	[sflag:s4] =	ssyncset.done $0x0  }
0x41: {  	s19 =	simm.s32 $0x0;
	[sflag:s4] =	ssyncadd.s32 $0xFFFFC000  }
0x42: {  	s17 =	sor.u32 $0x8040, s17;
	v7 =	vld.idx.msk [tilespmem:v1+s19+$0x0 ss:$0x1], $0xffff  }
0x43: {  	v0 =	vmov s17;
	v8 =	vld.idx.msk [tilespmem:v1+s19+$0xFFFFFF90 ss:$0x1], $0xffff  }
0x44: {  	v6 =	vld.idx.msk [tilespmem:v1+s19+$0xFFFFFFA0 ss:$0x1], $0xffff  }
0x45: {  	v4 =	vld.idx.msk [tilespmem:v1+s19+$0xFFFFFFB0 ss:$0x1], $0xffff  }
0x46: {  	v2 =	vld.idx.msk [tilespmem:v1+s19+$0xFFFFFFC0 ss:$0x1], $0xffff  }
0x47: {  	s31 =	sshll.u32 s13, $0xE;
	v3 =	vld.idx.msk [tilespmem:v1+s19+$0xFFFFFFD0 ss:$0x1], $0xffff  }
0x48: {  	s17 =	sand.u32 $0x4000, s31;
	v5 =	vld.idx.msk [tilespmem:v1+s19+$0xFFFFFFE0 ss:$0x1], $0xffff;
	[tilespmem:v0+s19+$0x30 ss:$0x1] =	vst.idx.msk $0xffff, v7  }
0x49: {  	s20 =	simm.s32 $0x400;
	s18 =	simm.s32 $0x80;
	s17 =	sor.u32 $0x8000, s17;
	[tilespmem:v0+s19+$0xFFFFFFC0 ss:$0x1] =	vst.idx.msk $0xffff, v8;
	v7 =	vld.idx.msk [tilespmem:v1+s19+$0xFFFFFFF0 ss:$0x1], $0xffff  }
.LBB1_3:
0x4a: {  	p0 =	sne.s32 s20, $0xFE00;
	v8 =	vld.idx.msk [tilespmem:v1+s18+$0x0 ss:$0x1], $0xffff;
	[tilespmem:v0+s19+$0xFFFFFFD0 ss:$0x1] =	vst.idx.msk $0xffff, v6  }
0x4b: {  	v9 =	vld.idx.msk [tilespmem:v1+s18+$0xFFFFFF90 ss:$0x1], $0xffff;
	[tilespmem:v0+s19+$0xFFFFFFE0 ss:$0x1] =	vst.idx.msk $0xffff, v4  }
0x4c: {  	v6 =	vld.idx.msk [tilespmem:v1+s18+$0xFFFFFFA0 ss:$0x1], $0xffff;
	[tilespmem:v0+s19+$0xFFFFFFF0 ss:$0x1] =	vst.idx.msk $0xffff, v2  }
.Ltmp3:
0x4d: {  	v4 =	vld.idx.msk [tilespmem:v1+s18+$0xFFFFFFB0 ss:$0x1], $0xffff;
	[tilespmem:v0+s19+$0x0 ss:$0x1] =	vst.idx.msk $0xffff, v3;
	(pc) =	sbr.rel @p0 .LBB1_3-.Ltmp3, $4  }
0x4e: {  	v2 =	vld.idx.msk [tilespmem:v1+s18+$0xFFFFFFC0 ss:$0x1], $0xffff;
	[tilespmem:v0+s19+$0x10 ss:$0x1] =	vst.idx.msk $0xffff, v5  }
0x4f: {  	v3 =	vld.idx.msk [tilespmem:v1+s18+$0xFFFFFFD0 ss:$0x1], $0xffff;
	[tilespmem:v0+s19+$0x20 ss:$0x1] =	vst.idx.msk $0xffff, v7;
	s19 =	smov.u32 s18  }
0x50: {  	v5 =	vld.idx.msk [tilespmem:v1+s19+$0xFFFFFFE0 ss:$0x1], $0xffff;
	[tilespmem:v0+s19+$0x30 ss:$0x1] =	vst.idx.msk $0xffff, v8  }
0x51: {  	s18 =	sshra.s32 s20, $0x2;
	s20 =	sadd.s32 $0x200, s20;
	[tilespmem:v0+s19+$0xFFFFFFC0 ss:$0x1] =	vst.idx.msk $0xffff, v9;
	v7 =	vld.idx.msk [tilespmem:v1+s19+$0xFFFFFFF0 ss:$0x1], $0xffff  }
.Ltmp4:
0x52: {  	_ = 	snop;
	(pc) =	sbr.rel .LBB1_4-.Ltmp4, $1  }
0x53: {  	_ =	sdelay $0x3  }
.LBB1_6:
0x54: {  	_ =	sfence.sel $0x180000  }
0x55: {  	s2 =	simm.s32 $0x1;
	[bflag:$0x0] =	sbarrier.arrive $0xFFFF  }
0x56: {  	s31 =	simm.s32 $0x2;
	[sflag:s2] =	ssyncpa.u1 $0x1  }
0x57: {  	[sflag:s31] =	ssyncpa.u1 $0x1  }
0x58: {  	p0 =	sne.s32 s0, $0x0;
	_ =	strace $0x9000004A  }
0x59: {  	s0 =	sadd.s32 @!p0 $0x100000, s1;
	[bflag:$0x2] =	sbarrier.arrive $0xFFFF  }
0x5a: {  	[sflag:s0] =	ssyncadd.tile.s32 @!p0 $0x1;
	_ =	shalt  }
.Lfunc_end1:
_tile_overlayer_lowered:
.L_overlay_start_2:
0x5b: {  	(tag) =	ssettag $0x2  }
0x5c: {  	s0 =	rddreg [dreg:$0x0];
	s2 =	stileid.u32  }
0x5d: {  	s1 =	rddreg [dreg:$0x1];
	p0 =	sne.s32 s2, $0x0  }
0x5e: {  	s3 =	rddreg [dreg:$0x2];
	[bflag:$0x3] =	sbarrier.arrive $0xFFFF;
	s2 =	simm.s32 @!p0 $0x1C01  }
0x5f: {  	[timem:s3], [sflag:s2] =	dma.local @!p0 [hbm:s0], s1  }
0x60: {  	s0 =	simm.s32 @!p0 $0x1  }
0x61: {  	_ =	swait.ge @!p0 [sflag:s0], s1  }
0x62: {  	s1 =	ssub.s32 @!p0 $0x0, s1;
	[sflag:s0] =	ssyncset.done @!p0 $0x0  }
0x63: {  	[sflag:s0] =	ssyncadd.s32 @!p0 s1  }
0x64: {  	[bflag:$0x3] =	sbarrier.arrive $0xFFFF  }
0x65: {  	_ =	shalt  }

</sc_bundles>
